<compile_context>
chip_gen: v7x
topology: tpu7x:2x2x1
jax: 0.10.2.dev20260603
libtpu: 0.0.44.dev20260713+nightly
codegen_flags: <defaults>
</compile_context>

<pallas_src>
import functools

import jax
import jax.numpy as jnp
from jax import lax
from jax.experimental import pallas as pl
from jax.experimental.pallas import tpu as pltpu
from jax.experimental.pallas import tpu_sc as plsc

_L = 16


def _sc_kernel(B, K, n_items_pad, n_workers):
    chunk = B // n_workers
    K_pad = (K + 7) // 8 * 8
    mesh = plsc.VectorSubcoreMesh(core_axis_name="c", subcore_axis_name="s")

    @functools.partial(
        pl.kernel,
        mesh=mesh,
        out_type=jax.ShapeDtypeStruct((B,), jnp.float32),
        compiler_params=pltpu.CompilerParams(
            needs_layout_passes=False,
            skip_device_barrier=True,
            disable_bounds_checks=True,
            disable_semaphore_checks=True,
        ),
        scratch_types=[
            pltpu.VMEM((chunk,), jnp.int32),
            pltpu.VMEM((chunk,), jnp.int32),
            pltpu.VMEM((n_items_pad,), jnp.int32),
            pltpu.VMEM((n_items_pad,), jnp.float32),
            pltpu.VMEM((n_items_pad,), jnp.float32),
            pltpu.VMEM((chunk, 8), jnp.int32),
            pltpu.VMEM((chunk, K_pad), jnp.float32),
            pltpu.VMEM((chunk,), jnp.float32),
            pltpu.SemaphoreType.DMA,
        ],
    )
    def kern(stu_hbm, item_hbm, theta_hbm, a_hbm, b_hbm, map_hbm, out_hbm,
             stu_v, item_v, map_v, a_v, b_v, _unused_v, rows_v, out_v, sem):
        n_cores = lax.axis_size("c")
        wid = lax.axis_index("s") * n_cores + lax.axis_index("c")
        base = wid * chunk

        pltpu.sync_copy(stu_hbm.at[pl.ds(base, chunk)], stu_v)
        pltpu.sync_copy(item_hbm.at[pl.ds(base, chunk)], item_v)
        pltpu.sync_copy(map_hbm, map_v)
        pltpu.sync_copy(a_hbm, a_v)
        pltpu.sync_copy(b_hbm, b_v)

        @pl.loop(0, chunk // _L)
        def _(j):
            vec = stu_v[pl.ds(j * _L, _L)]
            for l in range(_L):
                s = vec[l]
                pltpu.async_copy(
                    theta_hbm.at[s], rows_v.at[j * _L + l, pl.ds(0, K)], sem
                )

        @pl.loop(0, chunk)
        def _(q):
            pltpu.make_async_copy(
                theta_hbm.at[0], rows_v.at[q, pl.ds(0, K)], sem
            ).wait()

        lane = lax.iota(jnp.int32, _L)
        for j in range(chunk // _L):
            it = item_v[pl.ds(j * _L, _L)]
            sk = plsc.load_gather(map_v, [it])
            a = plsc.load_gather(a_v, [it])
            b = plsc.load_gather(b_v, [it])
            th = plsc.load_gather(rows_v, [j * _L + lane, sk])
            out_v[pl.ds(j * _L, _L)] = a * (th - b)

        pltpu.sync_copy(out_v, out_hbm.at[pl.ds(base, chunk)])

    return kern


def kernel(stu_idx, item_idx, theta, a_w, b_w, item_skill_map):
    B = stu_idx.shape[0]
    K = theta.shape[1]
    n_items = a_w.shape[0]
    n_items_pad = (n_items + _L - 1) // _L * _L

    info = plsc.get_sparse_core_info()
    n_workers = info.num_cores * info.num_subcores

    pad = n_items_pad - n_items
    a_sp = jnp.pad(jax.nn.softplus(a_w[:, 0]), (0, pad))
    b_t = jnp.pad(b_w[:, 0], (0, pad))
    map_t = jnp.pad(item_skill_map, (0, pad))

    kern = _sc_kernel(B, K, n_items_pad, n_workers)
    return kern(stu_idx, item_idx, theta, a_sp, b_t, map_t)

# --- scband reference (transcript-rebuilt; emitter-appended) ---
"""Pipeline reference for scband-assistments-mirt-16544214024219 (READ-ONLY COPY).

The authoritative reference and input builder live on the scoring server;
editing this copy changes nothing except your own understanding.
"""

import jax, jax.numpy as jnp
import numpy as np

NUM_STUDENTS = 1000000
NUM_ITEMS = 1000
K = 15
B = 16384


def setup_inputs(seed: int = 0) -> dict:
    key = jax.random.key(seed)
    k1, k2, k3, k4 = jax.random.split(key, 4)
    stu_idx = jax.random.randint(k1, (B,), 0, NUM_STUDENTS, dtype=jnp.int32)
    item_idx = jax.random.randint(k2, (B,), 0, NUM_ITEMS, dtype=jnp.int32)
    theta = jax.random.normal(k3, (NUM_STUDENTS, K), dtype=jnp.float32)
    a_w = jnp.ones((NUM_ITEMS, 1), dtype=jnp.float32)
    b_w = jax.random.normal(k4, (NUM_ITEMS, 1), dtype=jnp.float32)
    item_skill_map = jnp.arange(NUM_ITEMS, dtype=jnp.int32) % K
    return {"stu_idx": stu_idx, "item_idx": item_idx, "theta": theta, "a_w": a_w, "b_w": b_w, "item_skill_map": item_skill_map}


def reference(stu_idx, item_idx, theta, a_w, b_w, item_skill_map):
    # skill_idx = item_skill_map[item_idx]
    skill_idx = jnp.take(item_skill_map, item_idx, axis=0)
    # theta(stu_idx).gather(1, skill_idx.unsqueeze(1)).squeeze()
    theta_rows = jnp.take(theta, stu_idx, axis=0)
    theta_k = jnp.take_along_axis(theta_rows, skill_idx[:, None], axis=1).squeeze(-1)
    # a = softplus(self.a(item_idx).squeeze())
    a = jax.nn.softplus(jnp.take(a_w, item_idx, axis=0).squeeze(-1))
    # b = self.b(item_idx).squeeze()
    b = jnp.take(b_w, item_idx, axis=0).squeeze(-1)
    return a * (theta_k - b)

if __name__ == "__main__":
    import jax
    _d = setup_inputs()
    print(jax.jit(kernel)(*tuple(_d.values())))

</pallas_src>

<mosaic_0001>
#map = affine_map<(d0, d1) -> (0)>
#map1 = affine_map<(d0, d1) -> (0, 0)>
module attributes {stable_mosaic.version = 14 : i64} {
  func.func @kern(%arg0: i32, %arg1: i32, %arg2: memref<16384xi32, #tpu.memory_space<hbm>>, %arg3: memref<16384xi32, #tpu.memory_space<hbm>>, %arg4: memref<1000000x15xf32, #tpu.memory_space<hbm>>, %arg5: memref<1008xf32, #tpu.memory_space<hbm>>, %arg6: memref<1008xf32, #tpu.memory_space<hbm>>, %arg7: memref<1008xi32, #tpu.memory_space<hbm>>, %arg8: memref<16384xf32, #tpu.memory_space<hbm>>, %arg9: memref<512xi32, #tpu.memory_space<vmem>>, %arg10: memref<512xi32, #tpu.memory_space<vmem>>, %arg11: memref<1008xi32, #tpu.memory_space<vmem>>, %arg12: memref<1008xf32, #tpu.memory_space<vmem>>, %arg13: memref<1008xf32, #tpu.memory_space<vmem>>, %arg14: memref<512x8xi32, #tpu.memory_space<vmem>>, %arg15: memref<512x16xf32, #tpu.memory_space<vmem>>, %arg16: memref<512xf32, #tpu.memory_space<vmem>>, %arg17: memref<!tpu.dma_semaphore, #tpu.memory_space<semaphore_mem>>) attributes {dimension_semantics = [#tpu.dimension_semantics<core_parallel>, #tpu.dimension_semantics<subcore_parallel>], iteration_bounds = array<i64: 2, 16>, scalar_prefetch = 0 : i64, scratch_operands = 9 : i64, tpu.core_type = #tpu.core_type<sc_vector_subcore>, window_params = [{transform_indices = #map}, {transform_indices = #map}, {transform_indices = #map1}, {transform_indices = #map}, {transform_indices = #map}, {transform_indices = #map}, {transform_indices = #map}]} {
    %mul3A = arith.constant 2 : i32
    %mul3A_0 = arith.muli %arg1, %mul3A : i32
    %add3A = arith.addi %mul3A_0, %arg0 : i32
    %mul3A_1 = arith.constant 512 : i32
    %mul3A_2 = arith.muli %add3A, %mul3A_1 : i32
    "tpu.region"() ({
      %run_scoped3A = tpu.sem_alloc : memref<!tpu.dma_semaphore, #tpu.memory_space<semaphore_mem>>
      %dma_start3A = tpu.memref_slice %arg2[%mul3A_2] : memref<16384xi32, #tpu.memory_space<hbm>> -> memref<512xi32, #tpu.memory_space<hbm>>
      %dma_start3A_424 = tpu.memref_slice %arg2[%mul3A_2] : memref<16384xi32, #tpu.memory_space<hbm>> -> memref<512xi32, #tpu.memory_space<hbm>>
      tpu.enqueue_dma source(%dma_start3A_424 : memref<512xi32, #tpu.memory_space<hbm>>) target(%arg9 : memref<512xi32, #tpu.memory_space<vmem>>) target_semaphore(%run_scoped3A : memref<!tpu.dma_semaphore, #tpu.memory_space<semaphore_mem>>)
      %dma_wait3A = tpu.memref_slice %arg2[%mul3A_2] : memref<16384xi32, #tpu.memory_space<hbm>> -> memref<512xi32, #tpu.memory_space<hbm>>
      %dma_wait3A_425 = tpu.memref_slice %arg2[%mul3A_2] : memref<16384xi32, #tpu.memory_space<hbm>> -> memref<512xi32, #tpu.memory_space<hbm>>
      tpu.wait_dma2 semaphore(%run_scoped3A : memref<!tpu.dma_semaphore, #tpu.memory_space<semaphore_mem>>) src(%dma_wait3A_425 : memref<512xi32, #tpu.memory_space<hbm>>) dst(%arg9 : memref<512xi32, #tpu.memory_space<vmem>>)
      tpu.yield
    }) : () -> ()
    "tpu.region"() ({
      %run_scoped3A = tpu.sem_alloc : memref<!tpu.dma_semaphore, #tpu.memory_space<semaphore_mem>>
      %dma_start3A = tpu.memref_slice %arg3[%mul3A_2] : memref<16384xi32, #tpu.memory_space<hbm>> -> memref<512xi32, #tpu.memory_space<hbm>>
      %dma_start3A_424 = tpu.memref_slice %arg3[%mul3A_2] : memref<16384xi32, #tpu.memory_space<hbm>> -> memref<512xi32, #tpu.memory_space<hbm>>
      tpu.enqueue_dma source(%dma_start3A_424 : memref<512xi32, #tpu.memory_space<hbm>>) target(%arg10 : memref<512xi32, #tpu.memory_space<vmem>>) target_semaphore(%run_scoped3A : memref<!tpu.dma_semaphore, #tpu.memory_space<semaphore_mem>>)
      %dma_wait3A = tpu.memref_slice %arg3[%mul3A_2] : memref<16384xi32, #tpu.memory_space<hbm>> -> memref<512xi32, #tpu.memory_space<hbm>>
      %dma_wait3A_425 = tpu.memref_slice %arg3[%mul3A_2] : memref<16384xi32, #tpu.memory_space<hbm>> -> memref<512xi32, #tpu.memory_space<hbm>>
      tpu.wait_dma2 semaphore(%run_scoped3A : memref<!tpu.dma_semaphore, #tpu.memory_space<semaphore_mem>>) src(%dma_wait3A_425 : memref<512xi32, #tpu.memory_space<hbm>>) dst(%arg10 : memref<512xi32, #tpu.memory_space<vmem>>)
      tpu.yield
    }) : () -> ()
    "tpu.region"() ({
      %run_scoped3A = tpu.sem_alloc : memref<!tpu.dma_semaphore, #tpu.memory_space<semaphore_mem>>
      tpu.enqueue_dma source(%arg7 : memref<1008xi32, #tpu.memory_space<hbm>>) target(%arg11 : memref<1008xi32, #tpu.memory_space<vmem>>) target_semaphore(%run_scoped3A : memref<!tpu.dma_semaphore, #tpu.memory_space<semaphore_mem>>)
      tpu.wait_dma2 semaphore(%run_scoped3A : memref<!tpu.dma_semaphore, #tpu.memory_space<semaphore_mem>>) src(%arg7 : memref<1008xi32, #tpu.memory_space<hbm>>) dst(%arg11 : memref<1008xi32, #tpu.memory_space<vmem>>)
      tpu.yield
    }) : () -> ()
    "tpu.region"() ({
      %run_scoped3A = tpu.sem_alloc : memref<!tpu.dma_semaphore, #tpu.memory_space<semaphore_mem>>
      tpu.enqueue_dma source(%arg5 : memref<1008xf32, #tpu.memory_space<hbm>>) target(%arg12 : memref<1008xf32, #tpu.memory_space<vmem>>) target_semaphore(%run_scoped3A : memref<!tpu.dma_semaphore, #tpu.memory_space<semaphore_mem>>)
      tpu.wait_dma2 semaphore(%run_scoped3A : memref<!tpu.dma_semaphore, #tpu.memory_space<semaphore_mem>>) src(%arg5 : memref<1008xf32, #tpu.memory_space<hbm>>) dst(%arg12 : memref<1008xf32, #tpu.memory_space<vmem>>)
      tpu.yield
    }) : () -> ()
    "tpu.region"() ({
      %run_scoped3A = tpu.sem_alloc : memref<!tpu.dma_semaphore, #tpu.memory_space<semaphore_mem>>
      tpu.enqueue_dma source(%arg6 : memref<1008xf32, #tpu.memory_space<hbm>>) target(%arg13 : memref<1008xf32, #tpu.memory_space<vmem>>) target_semaphore(%run_scoped3A : memref<!tpu.dma_semaphore, #tpu.memory_space<semaphore_mem>>)
      tpu.wait_dma2 semaphore(%run_scoped3A : memref<!tpu.dma_semaphore, #tpu.memory_space<semaphore_mem>>) src(%arg6 : memref<1008xf32, #tpu.memory_space<hbm>>) dst(%arg13 : memref<1008xf32, #tpu.memory_space<vmem>>)
      tpu.yield
    }) : () -> ()
    %scan3A = arith.constant 0 : i32
    %scan3A_3 = arith.constant 32 : i32
    %scan3A_4 = arith.addi %scan3A, %scan3A_3 : i32
    %scan3A_5 = arith.constant 1 : i32
    scf.for %scan3A_424 = %scan3A to %scan3A_4 step %scan3A_5  : i32 {
      %mul3A_425 = arith.constant 1 : i32
      %mul3A_426 = arith.muli %scan3A_424, %mul3A_425 : i32
      %add3A_427 = arith.constant 0 : i32
      %add3A_428 = arith.addi %add3A_427, %mul3A_426 : i32
      %mul3A_429 = arith.constant 16 : i32
      %mul3A_430 = arith.muli %add3A_428, %mul3A_429 : i32
      %get3A_431 = arith.index_cast %mul3A_430 : i32 to index
      %get3A_432 = tpu.vector_load %arg9[%get3A_431] {strides = array<i32>} : memref<512xi32, #tpu.memory_space<vmem>>, vector<16xi32>,
      %slice3A = vector.extract_strided_slice %get3A_432 {offsets = [0], sizes = [1], strides = [1]} : vector<16xi32> to vector<1xi32>
      %squeeze3A = vector.extract %slice3A[0] : i32 from vector<1xi32>
      %mul3A_433 = arith.constant 16 : i32
      %mul3A_434 = arith.muli %add3A_428, %mul3A_433 : i32
      %add3A_435 = arith.constant 0 : i32
      %add3A_436 = arith.addi %mul3A_434, %add3A_435 : i32
      %dma_start3A = arith.constant 0 : i32
      %dma_start3A_437 = tpu.memref_slice %arg15[%add3A_436, %dma_start3A] : memref<512x16xf32, #tpu.memory_space<vmem>> -> memref<1x15xf32, #tpu.memory_space<vmem>>
      %dma_start3A_438 = tpu.memref_squeeze %dma_start3A_437 : memref<1x15xf32, #tpu.memory_space<vmem>> -> memref<15xf32, #tpu.memory_space<vmem>>
      %dma_start3A_439 = arith.constant 0 : i32
      %dma_start3A_440 = tpu.memref_slice %arg4[%squeeze3A, %dma_start3A_439] : memref<1000000x15xf32, #tpu.memory_space<hbm>> -> memref<1x15xf32, #tpu.memory_space<hbm>>
      %dma_start3A_441 = tpu.memref_squeeze %dma_start3A_440 : memref<1x15xf32, #tpu.memory_space<hbm>> -> memref<15xf32, #tpu.memory_space<hbm>>
      %dma_start3A_442 = arith.constant 0 : i32
      %dma_start3A_443 = tpu.memref_slice %arg15[%add3A_436, %dma_start3A_442] : memref<512x16xf32, #tpu.memory_space<vmem>> -> memref<1x15xf32, #tpu.memory_space<vmem>>
      %dma_start3A_444 = tpu.memref_squeeze %dma_start3A_443 : memref<1x15xf32, #tpu.memory_space<vmem>> -> memref<15xf32, #tpu.memory_space<vmem>>
      %dma_start3A_445 = arith.constant 0 : i32
      %dma_start3A_446 = tpu.memref_slice %arg4[%squeeze3A, %dma_start3A_445] : memref<1000000x15xf32, #tpu.memory_space<hbm>> -> memref<1x15xf32, #tpu.memory_space<hbm>>
      %dma_start3A_447 = tpu.memref_squeeze %dma_start3A_446 : memref<1x15xf32, #tpu.memory_space<hbm>> -> memref<15xf32, #tpu.memory_space<hbm>>
      tpu.enqueue_dma source(%dma_start3A_447 : memref<15xf32, #tpu.memory_space<hbm>>) target(%dma_start3A_444 : memref<15xf32, #tpu.memory_space<vmem>>) target_semaphore(%arg17 : memref<!tpu.dma_semaphore, #tpu.memory_space<semaphore_mem>>)
      %slice3A_448 = vector.extract_strided_slice %get3A_432 {offsets = [1], sizes = [1], strides = [1]} : vector<16xi32> to vector<1xi32>
      %squeeze3A_449 = vector.extract %slice3A_448[0] : i32 from vector<1xi32>
      %mul3A_450 = arith.constant 16 : i32
      %mul3A_451 = arith.muli %add3A_428, %mul3A_450 : i32
      %add3A_452 = arith.constant 1 : i32
      %add3A_453 = arith.addi %mul3A_451, %add3A_452 : i32
      %dma_start3A_454 = arith.constant 0 : i32
      %dma_start3A_455 = tpu.memref_slice %arg15[%add3A_453, %dma_start3A_454] : memref<512x16xf32, #tpu.memory_space<vmem>> -> memref<1x15xf32, #tpu.memory_space<vmem>>
      %dma_start3A_456 = tpu.memref_squeeze %dma_start3A_455 : memref<1x15xf32, #tpu.memory_space<vmem>> -> memref<15xf32, #tpu.memory_space<vmem>>
      %dma_start3A_457 = arith.constant 0 : i32
      %dma_start3A_458 = tpu.memref_slice %arg4[%squeeze3A_449, %dma_start3A_457] : memref<1000000x15xf32, #tpu.memory_space<hbm>> -> memref<1x15xf32, #tpu.memory_space<hbm>>
      %dma_start3A_459 = tpu.memref_squeeze %dma_start3A_458 : memref<1x15xf32, #tpu.memory_space<hbm>> -> memref<15xf32, #tpu.memory_space<hbm>>
      %dma_start3A_460 = arith.constant 0 : i32
      %dma_start3A_461 = tpu.memref_slice %arg15[%add3A_453, %dma_start3A_460] : memref<512x16xf32, #tpu.memory_space<vmem>> -> memref<1x15xf32, #tpu.memory_space<vmem>>
      %dma_start3A_462 = tpu.memref_squeeze %dma_start3A_461 : memref<1x15xf32, #tpu.memory_space<vmem>> -> memref<15xf32, #tpu.memory_space<vmem>>
      %dma_start3A_463 = arith.constant 0 : i32
      %dma_start3A_464 = tpu.memref_slice %arg4[%squeeze3A_449, %dma_start3A_463] : memref<1000000x15xf32, #tpu.memory_space<hbm>> -> memref<1x15xf32, #tpu.memory_space<hbm>>
      %dma_start3A_465 = tpu.memref_squeeze %dma_start3A_464 : memref<1x15xf32, #tpu.memory_space<hbm>> -> memref<15xf32, #tpu.memory_space<hbm>>
      tpu.enqueue_dma source(%dma_start3A_465 : memref<15xf32, #tpu.memory_space<hbm>>) target(%dma_start3A_462 : memref<15xf32, #tpu.memory_space<vmem>>) target_semaphore(%arg17 : memref<!tpu.dma_semaphore, #tpu.memory_space<semaphore_mem>>)
      %slice3A_466 = vector.extract_strided_slice %get3A_432 {offsets = [2], sizes = [1], strides = [1]} : vector<16xi32> to vector<1xi32>
      %squeeze3A_467 = vector.extract %slice3A_466[0] : i32 from vector<1xi32>
      %mul3A_468 = arith.constant 16 : i32
      %mul3A_469 = arith.muli %add3A_428, %mul3A_468 : i32
      %add3A_470 = arith.constant 2 : i32
      %add3A_471 = arith.addi %mul3A_469, %add3A_470 : i32
      %dma_start3A_472 = arith.constant 0 : i32
      %dma_start3A_473 = tpu.memref_slice %arg15[%add3A_471, %dma_start3A_472] : memref<512x16xf32, #tpu.memory_space<vmem>> -> memref<1x15xf32, #tpu.memory_space<vmem>>
      %dma_start3A_474 = tpu.memref_squeeze %dma_start3A_473 : memref<1x15xf32, #tpu.memory_space<vmem>> -> memref<15xf32, #tpu.memory_space<vmem>>
      %dma_start3A_475 = arith.constant 0 : i32
      %dma_start3A_476 = tpu.memref_slice %arg4[%squeeze3A_467, %dma_start3A_475] : memref<1000000x15xf32, #tpu.memory_space<hbm>> -> memref<1x15xf32, #tpu.memory_space<hbm>>
      %dma_start3A_477 = tpu.memref_squeeze %dma_start3A_476 : memref<1x15xf32, #tpu.memory_space<hbm>> -> memref<15xf32, #tpu.memory_space<hbm>>
      %dma_start3A_478 = arith.constant 0 : i32
      %dma_start3A_479 = tpu.memref_slice %arg15[%add3A_471, %dma_start3A_478] : memref<512x16xf32, #tpu.memory_space<vmem>> -> memref<1x15xf32, #tpu.memory_space<vmem>>
      %dma_start3A_480 = tpu.memref_squeeze %dma_start3A_479 : memref<1x15xf32, #tpu.memory_space<vmem>> -> memref<15xf32, #tpu.memory_space<vmem>>
      %dma_start3A_481 = arith.constant 0 : i32
      %dma_start3A_482 = tpu.memref_slice %arg4[%squeeze3A_467, %dma_start3A_481] : memref<1000000x15xf32, #tpu.memory_space<hbm>> -> memref<1x15xf32, #tpu.memory_space<hbm>>
      %dma_start3A_483 = tpu.memref_squeeze %dma_start3A_482 : memref<1x15xf32, #tpu.memory_space<hbm>> -> memref<15xf32, #tpu.memory_space<hbm>>
      tpu.enqueue_dma source(%dma_start3A_483 : memref<15xf32, #tpu.memory_space<hbm>>) target(%dma_start3A_480 : memref<15xf32, #tpu.memory_space<vmem>>) target_semaphore(%arg17 : memref<!tpu.dma_semaphore, #tpu.memory_space<semaphore_mem>>)
      %slice3A_484 = vector.extract_strided_slice %get3A_432 {offsets = [3], sizes = [1], strides = [1]} : vector<16xi32> to vector<1xi32>
      %squeeze3A_485 = vector.extract %slice3A_484[0] : i32 from vector<1xi32>
      %mul3A_486 = arith.constant 16 : i32
      %mul3A_487 = arith.muli %add3A_428, %mul3A_486 : i32
      %add3A_488 = arith.constant 3 : i32
      %add3A_489 = arith.addi %mul3A_487, %add3A_488 : i32
      %dma_start3A_490 = arith.constant 0 : i32
      %dma_start3A_491 = tpu.memref_slice %arg15[%add3A_489, %dma_start3A_490] : memref<512x16xf32, #tpu.memory_space<vmem>> -> memref<1x15xf32, #tpu.memory_space<vmem>>
      %dma_start3A_492 = tpu.memref_squeeze %dma_start3A_491 : memref<1x15xf32, #tpu.memory_space<vmem>> -> memref<15xf32, #tpu.memory_space<vmem>>
      %dma_start3A_493 = arith.constant 0 : i32
      %dma_start3A_494 = tpu.memref_slice %arg4[%squeeze3A_485, %dma_start3A_493] : memref<1000000x15xf32, #tpu.memory_space<hbm>> -> memref<1x15xf32, #tpu.memory_space<hbm>>
      %dma_start3A_495 = tpu.memref_squeeze %dma_start3A_494 : memref<1x15xf32, #tpu.memory_space<hbm>> -> memref<15xf32, #tpu.memory_space<hbm>>
      %dma_start3A_496 = arith.constant 0 : i32
      %dma_start3A_497 = tpu.memref_slice %arg15[%add3A_489, %dma_start3A_496] : memref<512x16xf32, #tpu.memory_space<vmem>> -> memref<1x15xf32, #tpu.memory_space<vmem>>
      %dma_start3A_498 = tpu.memref_squeeze %dma_start3A_497 : memref<1x15xf32, #tpu.memory_space<vmem>> -> memref<15xf32, #tpu.memory_space<vmem>>
      %dma_start3A_499 = arith.constant 0 : i32
      %dma_start3A_500 = tpu.memref_slice %arg4[%squeeze3A_485, %dma_start3A_499] : memref<1000000x15xf32, #tpu.memory_space<hbm>> -> memref<1x15xf32, #tpu.memory_space<hbm>>
      %dma_start3A_501 = tpu.memref_squeeze %dma_start3A_500 : memref<1x15xf32, #tpu.memory_space<hbm>> -> memref<15xf32, #tpu.memory_space<hbm>>
      tpu.enqueue_dma source(%dma_start3A_501 : memref<15xf32, #tpu.memory_space<hbm>>) target(%dma_start3A_498 : memref<15xf32, #tpu.memory_space<vmem>>) target_semaphore(%arg17 : memref<!tpu.dma_semaphore, #tpu.memory_space<semaphore_mem>>)
      %slice3A_502 = vector.extract_strided_slice %get3A_432 {offsets = [4], sizes = [1], strides = [1]} : vector<16xi32> to vector<1xi32>
      %squeeze3A_503 = vector.extract %slice3A_502[0] : i32 from vector<1xi32>
      %mul3A_504 = arith.constant 16 : i32
      %mul3A_505 = arith.muli %add3A_428, %mul3A_504 : i32
      %add3A_506 = arith.constant 4 : i32
      %add3A_507 = arith.addi %mul3A_505, %add3A_506 : i32
      %dma_start3A_508 = arith.constant 0 : i32
      %dma_start3A_509 = tpu.memref_slice %arg15[%add3A_507, %dma_start3A_508] : memref<512x16xf32, #tpu.memory_space<vmem>> -> memref<1x15xf32, #tpu.memory_space<vmem>>
      %dma_start3A_510 = tpu.memref_squeeze %dma_start3A_509 : memref<1x15xf32, #tpu.memory_space<vmem>> -> memref<15xf32, #tpu.memory_space<vmem>>
      %dma_start3A_511 = arith.constant 0 : i32
      %dma_start3A_512 = tpu.memref_slice %arg4[%squeeze3A_503, %dma_start3A_511] : memref<1000000x15xf32, #tpu.memory_space<hbm>> -> memref<1x15xf32, #tpu.memory_space<hbm>>
      %dma_start3A_513 = tpu.memref_squeeze %dma_start3A_512 : memref<1x15xf32, #tpu.memory_space<hbm>> -> memref<15xf32, #tpu.memory_space<hbm>>
      %dma_start3A_514 = arith.constant 0 : i32
      %dma_start3A_515 = tpu.memref_slice %arg15[%add3A_507, %dma_start3A_514] : memref<512x16xf32, #tpu.memory_space<vmem>> -> memref<1x15xf32, #tpu.memory_space<vmem>>
      %dma_start3A_516 = tpu.memref_squeeze %dma_start3A_515 : memref<1x15xf32, #tpu.memory_space<vmem>> -> memref<15xf32, #tpu.memory_space<vmem>>
      %dma_start3A_517 = arith.constant 0 : i32
      %dma_start3A_518 = tpu.memref_slice %arg4[%squeeze3A_503, %dma_start3A_517] : memref<1000000x15xf32, #tpu.memory_space<hbm>> -> memref<1x15xf32, #tpu.memory_space<hbm>>
      %dma_start3A_519 = tpu.memref_squeeze %dma_start3A_518 : memref<1x15xf32, #tpu.memory_space<hbm>> -> memref<15xf32, #tpu.memory_space<hbm>>
      tpu.enqueue_dma source(%dma_start3A_519 : memref<15xf32, #tpu.memory_space<hbm>>) target(%dma_start3A_516 : memref<15xf32, #tpu.memory_space<vmem>>) target_semaphore(%arg17 : memref<!tpu.dma_semaphore, #tpu.memory_space<semaphore_mem>>)
      %slice3A_520 = vector.extract_strided_slice %get3A_432 {offsets = [5], sizes = [1], strides = [1]} : vector<16xi32> to vector<1xi32>
      %squeeze3A_521 = vector.extract %slice3A_520[0] : i32 from vector<1xi32>
      %mul3A_522 = arith.constant 16 : i32
      %mul3A_523 = arith.muli %add3A_428, %mul3A_522 : i32
      %add3A_524 = arith.constant 5 : i32
      %add3A_525 = arith.addi %mul3A_523, %add3A_524 : i32
      %dma_start3A_526 = arith.constant 0 : i32
      %dma_start3A_527 = tpu.memref_slice %arg15[%add3A_525, %dma_start3A_526] : memref<512x16xf32, #tpu.memory_space<vmem>> -> memref<1x15xf32, #tpu.memory_space<vmem>>
      %dma_start3A_528 = tpu.memref_squeeze %dma_start3A_527 : memref<1x15xf32, #tpu.memory_space<vmem>> -> memref<15xf32, #tpu.memory_space<vmem>>
      %dma_start3A_529 = arith.constant 0 : i32
      %dma_start3A_530 = tpu.memref_slice %arg4[%squeeze3A_521, %dma_start3A_529] : memref<1000000x15xf32, #tpu.memory_space<hbm>> -> memref<1x15xf32, #tpu.memory_space<hbm>>
      %dma_start3A_531 = tpu.memref_squeeze %dma_start3A_530 : memref<1x15xf32, #tpu.memory_space<hbm>> -> memref<15xf32, #tpu.memory_space<hbm>>
      %dma_start3A_532 = arith.constant 0 : i32
      %dma_start3A_533 = tpu.memref_slice %arg15[%add3A_525, %dma_start3A_532] : memref<512x16xf32, #tpu.memory_space<vmem>> -> memref<1x15xf32, #tpu.memory_space<vmem>>
      %dma_start3A_534 = tpu.memref_squeeze %dma_start3A_533 : memref<1x15xf32, #tpu.memory_space<vmem>> -> memref<15xf32, #tpu.memory_space<vmem>>
      %dma_start3A_535 = arith.constant 0 : i32
      %dma_start3A_536 = tpu.memref_slice %arg4[%squeeze3A_521, %dma_start3A_535] : memref<1000000x15xf32, #tpu.memory_space<hbm>> -> memref<1x15xf32, #tpu.memory_space<hbm>>
      %dma_start3A_537 = tpu.memref_squeeze %dma_start3A_536 : memref<1x15xf32, #tpu.memory_space<hbm>> -> memref<15xf32, #tpu.memory_space<hbm>>
      tpu.enqueue_dma source(%dma_start3A_537 : memref<15xf32, #tpu.memory_space<hbm>>) target(%dma_start3A_534 : memref<15xf32, #tpu.memory_space<vmem>>) target_semaphore(%arg17 : memref<!tpu.dma_semaphore, #tpu.memory_space<semaphore_mem>>)
      %slice3A_538 = vector.extract_strided_slice %get3A_432 {offsets = [6], sizes = [1], strides = [1]} : vector<16xi32> to vector<1xi32>
      %squeeze3A_539 = vector.extract %slice3A_538[0] : i32 from vector<1xi32>
      %mul3A_540 = arith.constant 16 : i32
      %mul3A_541 = arith.muli %add3A_428, %mul3A_540 : i32
      %add3A_542 = arith.constant 6 : i32
      %add3A_543 = arith.addi %mul3A_541, %add3A_542 : i32
      %dma_start3A_544 = arith.constant 0 : i32
      %dma_start3A_545 = tpu.memref_slice %arg15[%add3A_543, %dma_start3A_544] : memref<512x16xf32, #tpu.memory_space<vmem>> -> memref<1x15xf32, #tpu.memory_space<vmem>>
      %dma_start3A_546 = tpu.memref_squeeze %dma_start3A_545 : memref<1x15xf32, #tpu.memory_space<vmem>> -> memref<15xf32, #tpu.memory_space<vmem>>
      %dma_start3A_547 = arith.constant 0 : i32
      %dma_start3A_548 = tpu.memref_slice %arg4[%squeeze3A_539, %dma_start3A_547] : memref<1000000x15xf32, #tpu.memory_space<hbm>> -> memref<1x15xf32, #tpu.memory_space<hbm>>
      %dma_start3A_549 = tpu.memref_squeeze %dma_start3A_548 : memref<1x15xf32, #tpu.memory_space<hbm>> -> memref<15xf32, #tpu.memory_space<hbm>>
      %dma_start3A_550 = arith.constant 0 : i32
      %dma_start3A_551 = tpu.memref_slice %arg15[%add3A_543, %dma_start3A_550] : memref<512x16xf32, #tpu.memory_space<vmem>> -> memref<1x15xf32, #tpu.memory_space<vmem>>
      %dma_start3A_552 = tpu.memref_squeeze %dma_start3A_551 : memref<1x15xf32, #tpu.memory_space<vmem>> -> memref<15xf32, #tpu.memory_space<vmem>>
      %dma_start3A_553 = arith.constant 0 : i32
      %dma_start3A_554 = tpu.memref_slice %arg4[%squeeze3A_539, %dma_start3A_553] : memref<1000000x15xf32, #tpu.memory_space<hbm>> -> memref<1x15xf32, #tpu.memory_space<hbm>>
      %dma_start3A_555 = tpu.memref_squeeze %dma_start3A_554 : memref<1x15xf32, #tpu.memory_space<hbm>> -> memref<15xf32, #tpu.memory_space<hbm>>
      tpu.enqueue_dma source(%dma_start3A_555 : memref<15xf32, #tpu.memory_space<hbm>>) target(%dma_start3A_552 : memref<15xf32, #tpu.memory_space<vmem>>) target_semaphore(%arg17 : memref<!tpu.dma_semaphore, #tpu.memory_space<semaphore_mem>>)
      %slice3A_556 = vector.extract_strided_slice %get3A_432 {offsets = [7], sizes = [1], strides = [1]} : vector<16xi32> to vector<1xi32>
      %squeeze3A_557 = vector.extract %slice3A_556[0] : i32 from vector<1xi32>
      %mul3A_558 = arith.constant 16 : i32
      %mul3A_559 = arith.muli %add3A_428, %mul3A_558 : i32
      %add3A_560 = arith.constant 7 : i32
      %add3A_561 = arith.addi %mul3A_559, %add3A_560 : i32
      %dma_start3A_562 = arith.constant 0 : i32
      %dma_start3A_563 = tpu.memref_slice %arg15[%add3A_561, %dma_start3A_562] : memref<512x16xf32, #tpu.memory_space<vmem>> -> memref<1x15xf32, #tpu.memory_space<vmem>>
      %dma_start3A_564 = tpu.memref_squeeze %dma_start3A_563 : memref<1x15xf32, #tpu.memory_space<vmem>> -> memref<15xf32, #tpu.memory_space<vmem>>
      %dma_start3A_565 = arith.constant 0 : i32
      %dma_start3A_566 = tpu.memref_slice %arg4[%squeeze3A_557, %dma_start3A_565] : memref<1000000x15xf32, #tpu.memory_space<hbm>> -> memref<1x15xf32, #tpu.memory_space<hbm>>
      %dma_start3A_567 = tpu.memref_squeeze %dma_start3A_566 : memref<1x15xf32, #tpu.memory_space<hbm>> -> memref<15xf32, #tpu.memory_space<hbm>>
      %dma_start3A_568 = arith.constant 0 : i32
      %dma_start3A_569 = tpu.memref_slice %arg15[%add3A_561, %dma_start3A_568] : memref<512x16xf32, #tpu.memory_space<vmem>> -> memref<1x15xf32, #tpu.memory_space<vmem>>
      %dma_start3A_570 = tpu.memref_squeeze %dma_start3A_569 : memref<1x15xf32, #tpu.memory_space<vmem>> -> memref<15xf32, #tpu.memory_space<vmem>>
      %dma_start3A_571 = arith.constant 0 : i32
      %dma_start3A_572 = tpu.memref_slice %arg4[%squeeze3A_557, %dma_start3A_571] : memref<1000000x15xf32, #tpu.memory_space<hbm>> -> memref<1x15xf32, #tpu.memory_space<hbm>>
      %dma_start3A_573 = tpu.memref_squeeze %dma_start3A_572 : memref<1x15xf32, #tpu.memory_space<hbm>> -> memref<15xf32, #tpu.memory_space<hbm>>
      tpu.enqueue_dma source(%dma_start3A_573 : memref<15xf32, #tpu.memory_space<hbm>>) target(%dma_start3A_570 : memref<15xf32, #tpu.memory_space<vmem>>) target_semaphore(%arg17 : memref<!tpu.dma_semaphore, #tpu.memory_space<semaphore_mem>>)
      %slice3A_574 = vector.extract_strided_slice %get3A_432 {offsets = [8], sizes = [1], strides = [1]} : vector<16xi32> to vector<1xi32>
      %squeeze3A_575 = vector.extract %slice3A_574[0] : i32 from vector<1xi32>
      %mul3A_576 = arith.constant 16 : i32
      %mul3A_577 = arith.muli %add3A_428, %mul3A_576 : i32
      %add3A_578 = arith.constant 8 : i32
      %add3A_579 = arith.addi %mul3A_577, %add3A_578 : i32
      %dma_start3A_580 = arith.constant 0 : i32
      %dma_start3A_581 = tpu.memref_slice %arg15[%add3A_579, %dma_start3A_580] : memref<512x16xf32, #tpu.memory_space<vmem>> -> memref<1x15xf32, #tpu.memory_space<vmem>>
      %dma_start3A_582 = tpu.memref_squeeze %dma_start3A_581 : memref<1x15xf32, #tpu.memory_space<vmem>> -> memref<15xf32, #tpu.memory_space<vmem>>
      %dma_start3A_583 = arith.constant 0 : i32
      %dma_start3A_584 = tpu.memref_slice %arg4[%squeeze3A_575, %dma_start3A_583] : memref<1000000x15xf32, #tpu.memory_space<hbm>> -> memref<1x15xf32, #tpu.memory_space<hbm>>
      %dma_start3A_585 = tpu.memref_squeeze %dma_start3A_584 : memref<1x15xf32, #tpu.memory_space<hbm>> -> memref<15xf32, #tpu.memory_space<hbm>>
      %dma_start3A_586 = arith.constant 0 : i32
      %dma_start3A_587 = tpu.memref_slice %arg15[%add3A_579, %dma_start3A_586] : memref<512x16xf32, #tpu.memory_space<vmem>> -> memref<1x15xf32, #tpu.memory_space<vmem>>
      %dma_start3A_588 = tpu.memref_squeeze %dma_start3A_587 : memref<1x15xf32, #tpu.memory_space<vmem>> -> memref<15xf32, #tpu.memory_space<vmem>>
      %dma_start3A_589 = arith.constant 0 : i32
      %dma_start3A_590 = tpu.memref_slice %arg4[%squeeze3A_575, %dma_start3A_589] : memref<1000000x15xf32, #tpu.memory_space<hbm>> -> memref<1x15xf32, #tpu.memory_space<hbm>>
      %dma_start3A_591 = tpu.memref_squeeze %dma_start3A_590 : memref<1x15xf32, #tpu.memory_space<hbm>> -> memref<15xf32, #tpu.memory_space<hbm>>
      tpu.enqueue_dma source(%dma_start3A_591 : memref<15xf32, #tpu.memory_space<hbm>>) target(%dma_start3A_588 : memref<15xf32, #tpu.memory_space<vmem>>) target_semaphore(%arg17 : memref<!tpu.dma_semaphore, #tpu.memory_space<semaphore_mem>>)
      %slice3A_592 = vector.extract_strided_slice %get3A_432 {offsets = [9], sizes = [1], strides = [1]} : vector<16xi32> to vector<1xi32>
      %squeeze3A_593 = vector.extract %slice3A_592[0] : i32 from vector<1xi32>
      %mul3A_594 = arith.constant 16 : i32
      %mul3A_595 = arith.muli %add3A_428, %mul3A_594 : i32
      %add3A_596 = arith.constant 9 : i32
      %add3A_597 = arith.addi %mul3A_595, %add3A_596 : i32
      %dma_start3A_598 = arith.constant 0 : i32
      %dma_start3A_599 = tpu.memref_slice %arg15[%add3A_597, %dma_start3A_598] : memref<512x16xf32, #tpu.memory_space<vmem>> -> memref<1x15xf32, #tpu.memory_space<vmem>>
      %dma_start3A_600 = tpu.memref_squeeze %dma_start3A_599 : memref<1x15xf32, #tpu.memory_space<vmem>> -> memref<15xf32, #tpu.memory_space<vmem>>
      %dma_start3A_601 = arith.constant 0 : i32
      %dma_start3A_602 = tpu.memref_slice %arg4[%squeeze3A_593, %dma_start3A_601] : memref<1000000x15xf32, #tpu.memory_space<hbm>> -> memref<1x15xf32, #tpu.memory_space<hbm>>
      %dma_start3A_603 = tpu.memref_squeeze %dma_start3A_602 : memref<1x15xf32, #tpu.memory_space<hbm>> -> memref<15xf32, #tpu.memory_space<hbm>>
      %dma_start3A_604 = arith.constant 0 : i32
      %dma_start3A_605 = tpu.memref_slice %arg15[%add3A_597, %dma_start3A_604] : memref<512x16xf32, #tpu.memory_space<vmem>> -> memref<1x15xf32, #tpu.memory_space<vmem>>
      %dma_start3A_606 = tpu.memref_squeeze %dma_start3A_605 : memref<1x15xf32, #tpu.memory_space<vmem>> -> memref<15xf32, #tpu.memory_space<vmem>>
      %dma_start3A_607 = arith.constant 0 : i32
      %dma_start3A_608 = tpu.memref_slice %arg4[%squeeze3A_593, %dma_start3A_607] : memref<1000000x15xf32, #tpu.memory_space<hbm>> -> memref<1x15xf32, #tpu.memory_space<hbm>>
      %dma_start3A_609 = tpu.memref_squeeze %dma_start3A_608 : memref<1x15xf32, #tpu.memory_space<hbm>> -> memref<15xf32, #tpu.memory_space<hbm>>
      tpu.enqueue_dma source(%dma_start3A_609 : memref<15xf32, #tpu.memory_space<hbm>>) target(%dma_start3A_606 : memref<15xf32, #tpu.memory_space<vmem>>) target_semaphore(%arg17 : memref<!tpu.dma_semaphore, #tpu.memory_space<semaphore_mem>>)
      %slice3A_610 = vector.extract_strided_slice %get3A_432 {offsets = [10], sizes = [1], strides = [1]} : vector<16xi32> to vector<1xi32>
      %squeeze3A_611 = vector.extract %slice3A_610[0] : i32 from vector<1xi32>
      %mul3A_612 = arith.constant 16 : i32
      %mul3A_613 = arith.muli %add3A_428, %mul3A_612 : i32
      %add3A_614 = arith.constant 10 : i32
      %add3A_615 = arith.addi %mul3A_613, %add3A_614 : i32
      %dma_start3A_616 = arith.constant 0 : i32
      %dma_start3A_617 = tpu.memref_slice %arg15[%add3A_615, %dma_start3A_616] : memref<512x16xf32, #tpu.memory_space<vmem>> -> memref<1x15xf32, #tpu.memory_space<vmem>>
      %dma_start3A_618 = tpu.memref_squeeze %dma_start3A_617 : memref<1x15xf32, #tpu.memory_space<vmem>> -> memref<15xf32, #tpu.memory_space<vmem>>
      %dma_start3A_619 = arith.constant 0 : i32
      %dma_start3A_620 = tpu.memref_slice %arg4[%squeeze3A_611, %dma_start3A_619] : memref<1000000x15xf32, #tpu.memory_space<hbm>> -> memref<1x15xf32, #tpu.memory_space<hbm>>
      %dma_start3A_621 = tpu.memref_squeeze %dma_start3A_620 : memref<1x15xf32, #tpu.memory_space<hbm>> -> memref<15xf32, #tpu.memory_space<hbm>>
      %dma_start3A_622 = arith.constant 0 : i32
      %dma_start3A_623 = tpu.memref_slice %arg15[%add3A_615, %dma_start3A_622] : memref<512x16xf32, #tpu.memory_space<vmem>> -> memref<1x15xf32, #tpu.memory_space<vmem>>
      %dma_start3A_624 = tpu.memref_squeeze %dma_start3A_623 : memref<1x15xf32, #tpu.memory_space<vmem>> -> memref<15xf32, #tpu.memory_space<vmem>>
      %dma_start3A_625 = arith.constant 0 : i32
      %dma_start3A_626 = tpu.memref_slice %arg4[%squeeze3A_611, %dma_start3A_625] : memref<1000000x15xf32, #tpu.memory_space<hbm>> -> memref<1x15xf32, #tpu.memory_space<hbm>>
      %dma_start3A_627 = tpu.memref_squeeze %dma_start3A_626 : memref<1x15xf32, #tpu.memory_space<hbm>> -> memref<15xf32, #tpu.memory_space<hbm>>
      tpu.enqueue_dma source(%dma_start3A_627 : memref<15xf32, #tpu.memory_space<hbm>>) target(%dma_start3A_624 : memref<15xf32, #tpu.memory_space<vmem>>) target_semaphore(%arg17 : memref<!tpu.dma_semaphore, #tpu.memory_space<semaphore_mem>>)
      %slice3A_628 = vector.extract_strided_slice %get3A_432 {offsets = [11], sizes = [1], strides = [1]} : vector<16xi32> to vector<1xi32>
      %squeeze3A_629 = vector.extract %slice3A_628[0] : i32 from vector<1xi32>
      %mul3A_630 = arith.constant 16 : i32
      %mul3A_631 = arith.muli %add3A_428, %mul3A_630 : i32
      %add3A_632 = arith.constant 11 : i32
      %add3A_633 = arith.addi %mul3A_631, %add3A_632 : i32
      %dma_start3A_634 = arith.constant 0 : i32
      %dma_start3A_635 = tpu.memref_slice %arg15[%add3A_633, %dma_start3A_634] : memref<512x16xf32, #tpu.memory_space<vmem>> -> memref<1x15xf32, #tpu.memory_space<vmem>>
      %dma_start3A_636 = tpu.memref_squeeze %dma_start3A_635 : memref<1x15xf32, #tpu.memory_space<vmem>> -> memref<15xf32, #tpu.memory_space<vmem>>
      %dma_start3A_637 = arith.constant 0 : i32
      %dma_start3A_638 = tpu.memref_slice %arg4[%squeeze3A_629, %dma_start3A_637] : memref<1000000x15xf32, #tpu.memory_space<hbm>> -> memref<1x15xf32, #tpu.memory_space<hbm>>
      %dma_start3A_639 = tpu.memref_squeeze %dma_start3A_638 : memref<1x15xf32, #tpu.memory_space<hbm>> -> memref<15xf32, #tpu.memory_space<hbm>>
      %dma_start3A_640 = arith.constant 0 : i32
      %dma_start3A_641 = tpu.memref_slice %arg15[%add3A_633, %dma_start3A_640] : memref<512x16xf32, #tpu.memory_space<vmem>> -> memref<1x15xf32, #tpu.memory_space<vmem>>
      %dma_start3A_642 = tpu.memref_squeeze %dma_start3A_641 : memref<1x15xf32, #tpu.memory_space<vmem>> -> memref<15xf32, #tpu.memory_space<vmem>>
      %dma_start3A_643 = arith.constant 0 : i32
      %dma_start3A_644 = tpu.memref_slice %arg4[%squeeze3A_629, %dma_start3A_643] : memref<1000000x15xf32, #tpu.memory_space<hbm>> -> memref<1x15xf32, #tpu.memory_space<hbm>>
      %dma_start3A_645 = tpu.memref_squeeze %dma_start3A_644 : memref<1x15xf32, #tpu.memory_space<hbm>> -> memref<15xf32, #tpu.memory_space<hbm>>
      tpu.enqueue_dma source(%dma_start3A_645 : memref<15xf32, #tpu.memory_space<hbm>>) target(%dma_start3A_642 : memref<15xf32, #tpu.memory_space<vmem>>) target_semaphore(%arg17 : memref<!tpu.dma_semaphore, #tpu.memory_space<semaphore_mem>>)
      %slice3A_646 = vector.extract_strided_slice %get3A_432 {offsets = [12], sizes = [1], strides = [1]} : vector<16xi32> to vector<1xi32>
      %squeeze3A_647 = vector.extract %slice3A_646[0] : i32 from vector<1xi32>
      %mul3A_648 = arith.constant 16 : i32
      %mul3A_649 = arith.muli %add3A_428, %mul3A_648 : i32
      %add3A_650 = arith.constant 12 : i32
      %add3A_651 = arith.addi %mul3A_649, %add3A_650 : i32
      %dma_start3A_652 = arith.constant 0 : i32
      %dma_start3A_653 = tpu.memref_slice %arg15[%add3A_651, %dma_start3A_652] : memref<512x16xf32, #tpu.memory_space<vmem>> -> memref<1x15xf32, #tpu.memory_space<vmem>>
      %dma_start3A_654 = tpu.memref_squeeze %dma_start3A_653 : memref<1x15xf32, #tpu.memory_space<vmem>> -> memref<15xf32, #tpu.memory_space<vmem>>
      %dma_start3A_655 = arith.constant 0 : i32
      %dma_start3A_656 = tpu.memref_slice %arg4[%squeeze3A_647, %dma_start3A_655] : memref<1000000x15xf32, #tpu.memory_space<hbm>> -> memref<1x15xf32, #tpu.memory_space<hbm>>
      %dma_start3A_657 = tpu.memref_squeeze %dma_start3A_656 : memref<1x15xf32, #tpu.memory_space<hbm>> -> memref<15xf32, #tpu.memory_space<hbm>>
      %dma_start3A_658 = arith.constant 0 : i32
      %dma_start3A_659 = tpu.memref_slice %arg15[%add3A_651, %dma_start3A_658] : memref<512x16xf32, #tpu.memory_space<vmem>> -> memref<1x15xf32, #tpu.memory_space<vmem>>
      %dma_start3A_660 = tpu.memref_squeeze %dma_start3A_659 : memref<1x15xf32, #tpu.memory_space<vmem>> -> memref<15xf32, #tpu.memory_space<vmem>>
      %dma_start3A_661 = arith.constant 0 : i32
      %dma_start3A_662 = tpu.memref_slice %arg4[%squeeze3A_647, %dma_start3A_661] : memref<1000000x15xf32, #tpu.memory_space<hbm>> -> memref<1x15xf32, #tpu.memory_space<hbm>>
      %dma_start3A_663 = tpu.memref_squeeze %dma_start3A_662 : memref<1x15xf32, #tpu.memory_space<hbm>> -> memref<15xf32, #tpu.memory_space<hbm>>
      tpu.enqueue_dma source(%dma_start3A_663 : memref<15xf32, #tpu.memory_space<hbm>>) target(%dma_start3A_660 : memref<15xf32, #tpu.memory_space<vmem>>) target_semaphore(%arg17 : memref<!tpu.dma_semaphore, #tpu.memory_space<semaphore_mem>>)
      %slice3A_664 = vector.extract_strided_slice %get3A_432 {offsets = [13], sizes = [1], strides = [1]} : vector<16xi32> to vector<1xi32>
      %squeeze3A_665 = vector.extract %slice3A_664[0] : i32 from vector<1xi32>
      %mul3A_666 = arith.constant 16 : i32
      %mul3A_667 = arith.muli %add3A_428, %mul3A_666 : i32
      %add3A_668 = arith.constant 13 : i32
      %add3A_669 = arith.addi %mul3A_667, %add3A_668 : i32
      %dma_start3A_670 = arith.constant 0 : i32
      %dma_start3A_671 = tpu.memref_slice %arg15[%add3A_669, %dma_start3A_670] : memref<512x16xf32, #tpu.memory_space<vmem>> -> memref<1x15xf32, #tpu.memory_space<vmem>>
      %dma_start3A_672 = tpu.memref_squeeze %dma_start3A_671 : memref<1x15xf32, #tpu.memory_space<vmem>> -> memref<15xf32, #tpu.memory_space<vmem>>
      %dma_start3A_673 = arith.constant 0 : i32
      %dma_start3A_674 = tpu.memref_slice %arg4[%squeeze3A_665, %dma_start3A_673] : memref<1000000x15xf32, #tpu.memory_space<hbm>> -> memref<1x15xf32, #tpu.memory_space<hbm>>
      %dma_start3A_675 = tpu.memref_squeeze %dma_start3A_674 : memref<1x15xf32, #tpu.memory_space<hbm>> -> memref<15xf32, #tpu.memory_space<hbm>>
      %dma_start3A_676 = arith.constant 0 : i32
      %dma_start3A_677 = tpu.memref_slice %arg15[%add3A_669, %dma_start3A_676] : memref<512x16xf32, #tpu.memory_space<vmem>> -> memref<1x15xf32, #tpu.memory_space<vmem>>
      %dma_start3A_678 = tpu.memref_squeeze %dma_start3A_677 : memref<1x15xf32, #tpu.memory_space<vmem>> -> memref<15xf32, #tpu.memory_space<vmem>>
      %dma_start3A_679 = arith.constant 0 : i32
      %dma_start3A_680 = tpu.memref_slice %arg4[%squeeze3A_665, %dma_start3A_679] : memref<1000000x15xf32, #tpu.memory_space<hbm>> -> memref<1x15xf32, #tpu.memory_space<hbm>>
      %dma_start3A_681 = tpu.memref_squeeze %dma_start3A_680 : memref<1x15xf32, #tpu.memory_space<hbm>> -> memref<15xf32, #tpu.memory_space<hbm>>
      tpu.enqueue_dma source(%dma_start3A_681 : memref<15xf32, #tpu.memory_space<hbm>>) target(%dma_start3A_678 : memref<15xf32, #tpu.memory_space<vmem>>) target_semaphore(%arg17 : memref<!tpu.dma_semaphore, #tpu.memory_space<semaphore_mem>>)
      %slice3A_682 = vector.extract_strided_slice %get3A_432 {offsets = [14], sizes = [1], strides = [1]} : vector<16xi32> to vector<1xi32>
      %squeeze3A_683 = vector.extract %slice3A_682[0] : i32 from vector<1xi32>
      %mul3A_684 = arith.constant 16 : i32
      %mul3A_685 = arith.muli %add3A_428, %mul3A_684 : i32
      %add3A_686 = arith.constant 14 : i32
      %add3A_687 = arith.addi %mul3A_685, %add3A_686 : i32
      %dma_start3A_688 = arith.constant 0 : i32
      %dma_start3A_689 = tpu.memref_slice %arg15[%add3A_687, %dma_start3A_688] : memref<512x16xf32, #tpu.memory_space<vmem>> -> memref<1x15xf32, #tpu.memory_space<vmem>>
      %dma_start3A_690 = tpu.memref_squeeze %dma_start3A_689 : memref<1x15xf32, #tpu.memory_space<vmem>> -> memref<15xf32, #tpu.memory_space<vmem>>
      %dma_start3A_691 = arith.constant 0 : i32
      %dma_start3A_692 = tpu.memref_slice %arg4[%squeeze3A_683, %dma_start3A_691] : memref<1000000x15xf32, #tpu.memory_space<hbm>> -> memref<1x15xf32, #tpu.memory_space<hbm>>
      %dma_start3A_693 = tpu.memref_squeeze %dma_start3A_692 : memref<1x15xf32, #tpu.memory_space<hbm>> -> memref<15xf32, #tpu.memory_space<hbm>>
      %dma_start3A_694 = arith.constant 0 : i32
      %dma_start3A_695 = tpu.memref_slice %arg15[%add3A_687, %dma_start3A_694] : memref<512x16xf32, #tpu.memory_space<vmem>> -> memref<1x15xf32, #tpu.memory_space<vmem>>
      %dma_start3A_696 = tpu.memref_squeeze %dma_start3A_695 : memref<1x15xf32, #tpu.memory_space<vmem>> -> memref<15xf32, #tpu.memory_space<vmem>>
      %dma_start3A_697 = arith.constant 0 : i32
      %dma_start3A_698 = tpu.memref_slice %arg4[%squeeze3A_683, %dma_start3A_697] : memref<1000000x15xf32, #tpu.memory_space<hbm>> -> memref<1x15xf32, #tpu.memory_space<hbm>>
      %dma_start3A_699 = tpu.memref_squeeze %dma_start3A_698 : memref<1x15xf32, #tpu.memory_space<hbm>> -> memref<15xf32, #tpu.memory_space<hbm>>
      tpu.enqueue_dma source(%dma_start3A_699 : memref<15xf32, #tpu.memory_space<hbm>>) target(%dma_start3A_696 : memref<15xf32, #tpu.memory_space<vmem>>) target_semaphore(%arg17 : memref<!tpu.dma_semaphore, #tpu.memory_space<semaphore_mem>>)
      %slice3A_700 = vector.extract_strided_slice %get3A_432 {offsets = [15], sizes = [1], strides = [1]} : vector<16xi32> to vector<1xi32>
      %squeeze3A_701 = vector.extract %slice3A_700[0] : i32 from vector<1xi32>
      %mul3A_702 = arith.constant 16 : i32
      %mul3A_703 = arith.muli %add3A_428, %mul3A_702 : i32
      %add3A_704 = arith.constant 15 : i32
      %add3A_705 = arith.addi %mul3A_703, %add3A_704 : i32
      %dma_start3A_706 = arith.constant 0 : i32
      %dma_start3A_707 = tpu.memref_slice %arg15[%add3A_705, %dma_start3A_706] : memref<512x16xf32, #tpu.memory_space<vmem>> -> memref<1x15xf32, #tpu.memory_space<vmem>>
      %dma_start3A_708 = tpu.memref_squeeze %dma_start3A_707 : memref<1x15xf32, #tpu.memory_space<vmem>> -> memref<15xf32, #tpu.memory_space<vmem>>
      %dma_start3A_709 = arith.constant 0 : i32
      %dma_start3A_710 = tpu.memref_slice %arg4[%squeeze3A_701, %dma_start3A_709] : memref<1000000x15xf32, #tpu.memory_space<hbm>> -> memref<1x15xf32, #tpu.memory_space<hbm>>
      %dma_start3A_711 = tpu.memref_squeeze %dma_start3A_710 : memref<1x15xf32, #tpu.memory_space<hbm>> -> memref<15xf32, #tpu.memory_space<hbm>>
      %dma_start3A_712 = arith.constant 0 : i32
      %dma_start3A_713 = tpu.memref_slice %arg15[%add3A_705, %dma_start3A_712] : memref<512x16xf32, #tpu.memory_space<vmem>> -> memref<1x15xf32, #tpu.memory_space<vmem>>
      %dma_start3A_714 = tpu.memref_squeeze %dma_start3A_713 : memref<1x15xf32, #tpu.memory_space<vmem>> -> memref<15xf32, #tpu.memory_space<vmem>>
      %dma_start3A_715 = arith.constant 0 : i32
      %dma_start3A_716 = tpu.memref_slice %arg4[%squeeze3A_701, %dma_start3A_715] : memref<1000000x15xf32, #tpu.memory_space<hbm>> -> memref<1x15xf32, #tpu.memory_space<hbm>>
      %dma_start3A_717 = tpu.memref_squeeze %dma_start3A_716 : memref<1x15xf32, #tpu.memory_space<hbm>> -> memref<15xf32, #tpu.memory_space<hbm>>
      tpu.enqueue_dma source(%dma_start3A_717 : memref<15xf32, #tpu.memory_space<hbm>>) target(%dma_start3A_714 : memref<15xf32, #tpu.memory_space<vmem>>) target_semaphore(%arg17 : memref<!tpu.dma_semaphore, #tpu.memory_space<semaphore_mem>>)
    }
    %scan3A_6 = arith.constant 32 : i32
    %scan3A_7 = arith.constant 0 : i32
    %scan3A_8 = arith.constant 512 : i32
    %scan3A_9 = arith.addi %scan3A_7, %scan3A_8 : i32
    %scan3A_10 = arith.constant 1 : i32
    scf.for %scan3A_424 = %scan3A_7 to %scan3A_9 step %scan3A_10  : i32 {
      %mul3A_425 = arith.constant 1 : i32
      %mul3A_426 = arith.muli %scan3A_424, %mul3A_425 : i32
      %add3A_427 = arith.constant 0 : i32
      %add3A_428 = arith.addi %add3A_427, %mul3A_426 : i32
      %dma_wait3A = arith.constant 0 : i32
      %dma_wait3A_429 = arith.constant 0 : i32
      %dma_wait3A_430 = tpu.memref_slice %arg15[%add3A_428, %dma_wait3A_429] : memref<512x16xf32, #tpu.memory_space<vmem>> -> memref<1x15xf32, #tpu.memory_space<vmem>>
      %dma_wait3A_431 = tpu.memref_squeeze %dma_wait3A_430 : memref<1x15xf32, #tpu.memory_space<vmem>> -> memref<15xf32, #tpu.memory_space<vmem>>
      %dma_wait3A_432 = arith.constant 0 : i32
      %dma_wait3A_433 = tpu.memref_slice %arg4[%dma_wait3A, %dma_wait3A_432] : memref<1000000x15xf32, #tpu.memory_space<hbm>> -> memref<1x15xf32, #tpu.memory_space<hbm>>
      %dma_wait3A_434 = tpu.memref_squeeze %dma_wait3A_433 : memref<1x15xf32, #tpu.memory_space<hbm>> -> memref<15xf32, #tpu.memory_space<hbm>>
      %dma_wait3A_435 = arith.constant 0 : i32
      %dma_wait3A_436 = tpu.memref_slice %arg15[%add3A_428, %dma_wait3A_435] : memref<512x16xf32, #tpu.memory_space<vmem>> -> memref<1x15xf32, #tpu.memory_space<vmem>>
      %dma_wait3A_437 = tpu.memref_squeeze %dma_wait3A_436 : memref<1x15xf32, #tpu.memory_space<vmem>> -> memref<15xf32, #tpu.memory_space<vmem>>
      %dma_wait3A_438 = arith.constant 0 : i32
      %dma_wait3A_439 = tpu.memref_slice %arg4[%dma_wait3A, %dma_wait3A_438] : memref<1000000x15xf32, #tpu.memory_space<hbm>> -> memref<1x15xf32, #tpu.memory_space<hbm>>
      %dma_wait3A_440 = tpu.memref_squeeze %dma_wait3A_439 : memref<1x15xf32, #tpu.memory_space<hbm>> -> memref<15xf32, #tpu.memory_space<hbm>>
      tpu.wait_dma2 semaphore(%arg17 : memref<!tpu.dma_semaphore, #tpu.memory_space<semaphore_mem>>) src(%dma_wait3A_440 : memref<15xf32, #tpu.memory_space<hbm>>) dst(%dma_wait3A_437 : memref<15xf32, #tpu.memory_space<vmem>>)
    }
    %scan3A_11 = arith.constant 512 : i32
    %iota3A = tpu.iota {dimensions = array<i32: 0>} : vector<16xi32>
    %get3A = arith.constant 0 : index
    %get3A_12 = tpu.vector_load %arg10[%get3A] {strides = array<i32>} : memref<512xi32, #tpu.memory_space<vmem>>, vector<16xi32>,
    %gather3A = tpu.vector_load_idx %arg11[%get3A_12] : memref<1008xi32, #tpu.memory_space<vmem>>[vector<16xi32>], vector<16xi32>,
    %gather3A_13 = tpu.vector_load_idx %arg12[%get3A_12] : memref<1008xf32, #tpu.memory_space<vmem>>[vector<16xi32>], vector<16xf32>,
    %gather3A_14 = tpu.vector_load_idx %arg13[%get3A_12] : memref<1008xf32, #tpu.memory_space<vmem>>[vector<16xi32>], vector<16xf32>,
    %add3A_15 = arith.constant 0 : i32
    %add3A_16 = vector.broadcast %add3A_15 : i32 to vector<16xi32>
    %add3A_17 = arith.addi %add3A_16, %iota3A : vector<16xi32>
    %gather3A_18 = tpu.vector_load_idx %arg15[%add3A_17, %gather3A] : memref<512x16xf32, #tpu.memory_space<vmem>>[vector<16xi32>, vector<16xi32>], vector<16xf32>,
    %sub3A = arith.subf %gather3A_18, %gather3A_14 : vector<16xf32>
    %mul3A_19 = arith.mulf %gather3A_13, %sub3A : vector<16xf32>
    %swap3A = arith.constant 0 : index
    %swap3A_20 = tpu.vector_load %arg16[%swap3A] {strides = array<i32>} : memref<512xf32, #tpu.memory_space<vmem>>, vector<16xf32>,
    tpu.vector_store %arg16[%swap3A], %mul3A_19 {strides = array<i32>} : memref<512xf32, #tpu.memory_space<vmem>>, vector<16xf32>,
    %get3A_21 = arith.constant 16 : index
    %get3A_22 = tpu.vector_load %arg10[%get3A_21] {strides = array<i32>} : memref<512xi32, #tpu.memory_space<vmem>>, vector<16xi32>,
    %gather3A_23 = tpu.vector_load_idx %arg11[%get3A_22] : memref<1008xi32, #tpu.memory_space<vmem>>[vector<16xi32>], vector<16xi32>,
    %gather3A_24 = tpu.vector_load_idx %arg12[%get3A_22] : memref<1008xf32, #tpu.memory_space<vmem>>[vector<16xi32>], vector<16xf32>,
    %gather3A_25 = tpu.vector_load_idx %arg13[%get3A_22] : memref<1008xf32, #tpu.memory_space<vmem>>[vector<16xi32>], vector<16xf32>,
    %add3A_26 = arith.constant 16 : i32
    %add3A_27 = vector.broadcast %add3A_26 : i32 to vector<16xi32>
    %add3A_28 = arith.addi %add3A_27, %iota3A : vector<16xi32>
    %gather3A_29 = tpu.vector_load_idx %arg15[%add3A_28, %gather3A_23] : memref<512x16xf32, #tpu.memory_space<vmem>>[vector<16xi32>, vector<16xi32>], vector<16xf32>,
    %sub3A_30 = arith.subf %gather3A_29, %gather3A_25 : vector<16xf32>
    %mul3A_31 = arith.mulf %gather3A_24, %sub3A_30 : vector<16xf32>
    %swap3A_32 = arith.constant 16 : index
    %swap3A_33 = tpu.vector_load %arg16[%swap3A_32] {strides = array<i32>} : memref<512xf32, #tpu.memory_space<vmem>>, vector<16xf32>,
    tpu.vector_store %arg16[%swap3A_32], %mul3A_31 {strides = array<i32>} : memref<512xf32, #tpu.memory_space<vmem>>, vector<16xf32>,
    %get3A_34 = arith.constant 32 : index
    %get3A_35 = tpu.vector_load %arg10[%get3A_34] {strides = array<i32>} : memref<512xi32, #tpu.memory_space<vmem>>, vector<16xi32>,
    %gather3A_36 = tpu.vector_load_idx %arg11[%get3A_35] : memref<1008xi32, #tpu.memory_space<vmem>>[vector<16xi32>], vector<16xi32>,
    %gather3A_37 = tpu.vector_load_idx %arg12[%get3A_35] : memref<1008xf32, #tpu.memory_space<vmem>>[vector<16xi32>], vector<16xf32>,
    %gather3A_38 = tpu.vector_load_idx %arg13[%get3A_35] : memref<1008xf32, #tpu.memory_space<vmem>>[vector<16xi32>], vector<16xf32>,
    %add3A_39 = arith.constant 32 : i32
    %add3A_40 = vector.broadcast %add3A_39 : i32 to vector<16xi32>
    %add3A_41 = arith.addi %add3A_40, %iota3A : vector<16xi32>
    %gather3A_42 = tpu.vector_load_idx %arg15[%add3A_41, %gather3A_36] : memref<512x16xf32, #tpu.memory_space<vmem>>[vector<16xi32>, vector<16xi32>], vector<16xf32>,
    %sub3A_43 = arith.subf %gather3A_42, %gather3A_38 : vector<16xf32>
    %mul3A_44 = arith.mulf %gather3A_37, %sub3A_43 : vector<16xf32>
    %swap3A_45 = arith.constant 32 : index
    %swap3A_46 = tpu.vector_load %arg16[%swap3A_45] {strides = array<i32>} : memref<512xf32, #tpu.memory_space<vmem>>, vector<16xf32>,
    tpu.vector_store %arg16[%swap3A_45], %mul3A_44 {strides = array<i32>} : memref<512xf32, #tpu.memory_space<vmem>>, vector<16xf32>,
    %get3A_47 = arith.constant 48 : index
    %get3A_48 = tpu.vector_load %arg10[%get3A_47] {strides = array<i32>} : memref<512xi32, #tpu.memory_space<vmem>>, vector<16xi32>,
    %gather3A_49 = tpu.vector_load_idx %arg11[%get3A_48] : memref<1008xi32, #tpu.memory_space<vmem>>[vector<16xi32>], vector<16xi32>,
    %gather3A_50 = tpu.vector_load_idx %arg12[%get3A_48] : memref<1008xf32, #tpu.memory_space<vmem>>[vector<16xi32>], vector<16xf32>,
    %gather3A_51 = tpu.vector_load_idx %arg13[%get3A_48] : memref<1008xf32, #tpu.memory_space<vmem>>[vector<16xi32>], vector<16xf32>,
    %add3A_52 = arith.constant 48 : i32
    %add3A_53 = vector.broadcast %add3A_52 : i32 to vector<16xi32>
    %add3A_54 = arith.addi %add3A_53, %iota3A : vector<16xi32>
    %gather3A_55 = tpu.vector_load_idx %arg15[%add3A_54, %gather3A_49] : memref<512x16xf32, #tpu.memory_space<vmem>>[vector<16xi32>, vector<16xi32>], vector<16xf32>,
    %sub3A_56 = arith.subf %gather3A_55, %gather3A_51 : vector<16xf32>
    %mul3A_57 = arith.mulf %gather3A_50, %sub3A_56 : vector<16xf32>
    %swap3A_58 = arith.constant 48 : index
    %swap3A_59 = tpu.vector_load %arg16[%swap3A_58] {strides = array<i32>} : memref<512xf32, #tpu.memory_space<vmem>>, vector<16xf32>,
    tpu.vector_store %arg16[%swap3A_58], %mul3A_57 {strides = array<i32>} : memref<512xf32, #tpu.memory_space<vmem>>, vector<16xf32>,
    %get3A_60 = arith.constant 64 : index
    %get3A_61 = tpu.vector_load %arg10[%get3A_60] {strides = array<i32>} : memref<512xi32, #tpu.memory_space<vmem>>, vector<16xi32>,
    %gather3A_62 = tpu.vector_load_idx %arg11[%get3A_61] : memref<1008xi32, #tpu.memory_space<vmem>>[vector<16xi32>], vector<16xi32>,
    %gather3A_63 = tpu.vector_load_idx %arg12[%get3A_61] : memref<1008xf32, #tpu.memory_space<vmem>>[vector<16xi32>], vector<16xf32>,
    %gather3A_64 = tpu.vector_load_idx %arg13[%get3A_61] : memref<1008xf32, #tpu.memory_space<vmem>>[vector<16xi32>], vector<16xf32>,
    %add3A_65 = arith.constant 64 : i32
    %add3A_66 = vector.broadcast %add3A_65 : i32 to vector<16xi32>
    %add3A_67 = arith.addi %add3A_66, %iota3A : vector<16xi32>
    %gather3A_68 = tpu.vector_load_idx %arg15[%add3A_67, %gather3A_62] : memref<512x16xf32, #tpu.memory_space<vmem>>[vector<16xi32>, vector<16xi32>], vector<16xf32>,
    %sub3A_69 = arith.subf %gather3A_68, %gather3A_64 : vector<16xf32>
    %mul3A_70 = arith.mulf %gather3A_63, %sub3A_69 : vector<16xf32>
    %swap3A_71 = arith.constant 64 : index
    %swap3A_72 = tpu.vector_load %arg16[%swap3A_71] {strides = array<i32>} : memref<512xf32, #tpu.memory_space<vmem>>, vector<16xf32>,
    tpu.vector_store %arg16[%swap3A_71], %mul3A_70 {strides = array<i32>} : memref<512xf32, #tpu.memory_space<vmem>>, vector<16xf32>,
    %get3A_73 = arith.constant 80 : index
    %get3A_74 = tpu.vector_load %arg10[%get3A_73] {strides = array<i32>} : memref<512xi32, #tpu.memory_space<vmem>>, vector<16xi32>,
    %gather3A_75 = tpu.vector_load_idx %arg11[%get3A_74] : memref<1008xi32, #tpu.memory_space<vmem>>[vector<16xi32>], vector<16xi32>,
    %gather3A_76 = tpu.vector_load_idx %arg12[%get3A_74] : memref<1008xf32, #tpu.memory_space<vmem>>[vector<16xi32>], vector<16xf32>,
    %gather3A_77 = tpu.vector_load_idx %arg13[%get3A_74] : memref<1008xf32, #tpu.memory_space<vmem>>[vector<16xi32>], vector<16xf32>,
    %add3A_78 = arith.constant 80 : i32
    %add3A_79 = vector.broadcast %add3A_78 : i32 to vector<16xi32>
    %add3A_80 = arith.addi %add3A_79, %iota3A : vector<16xi32>
    %gather3A_81 = tpu.vector_load_idx %arg15[%add3A_80, %gather3A_75] : memref<512x16xf32, #tpu.memory_space<vmem>>[vector<16xi32>, vector<16xi32>], vector<16xf32>,
    %sub3A_82 = arith.subf %gather3A_81, %gather3A_77 : vector<16xf32>
    %mul3A_83 = arith.mulf %gather3A_76, %sub3A_82 : vector<16xf32>
    %swap3A_84 = arith.constant 80 : index
    %swap3A_85 = tpu.vector_load %arg16[%swap3A_84] {strides = array<i32>} : memref<512xf32, #tpu.memory_space<vmem>>, vector<16xf32>,
    tpu.vector_store %arg16[%swap3A_84], %mul3A_83 {strides = array<i32>} : memref<512xf32, #tpu.memory_space<vmem>>, vector<16xf32>,
    %get3A_86 = arith.constant 96 : index
    %get3A_87 = tpu.vector_load %arg10[%get3A_86] {strides = array<i32>} : memref<512xi32, #tpu.memory_space<vmem>>, vector<16xi32>,
    %gather3A_88 = tpu.vector_load_idx %arg11[%get3A_87] : memref<1008xi32, #tpu.memory_space<vmem>>[vector<16xi32>], vector<16xi32>,
    %gather3A_89 = tpu.vector_load_idx %arg12[%get3A_87] : memref<1008xf32, #tpu.memory_space<vmem>>[vector<16xi32>], vector<16xf32>,
    %gather3A_90 = tpu.vector_load_idx %arg13[%get3A_87] : memref<1008xf32, #tpu.memory_space<vmem>>[vector<16xi32>], vector<16xf32>,
    %add3A_91 = arith.constant 96 : i32
    %add3A_92 = vector.broadcast %add3A_91 : i32 to vector<16xi32>
    %add3A_93 = arith.addi %add3A_92, %iota3A : vector<16xi32>
    %gather3A_94 = tpu.vector_load_idx %arg15[%add3A_93, %gather3A_88] : memref<512x16xf32, #tpu.memory_space<vmem>>[vector<16xi32>, vector<16xi32>], vector<16xf32>,
    %sub3A_95 = arith.subf %gather3A_94, %gather3A_90 : vector<16xf32>
    %mul3A_96 = arith.mulf %gather3A_89, %sub3A_95 : vector<16xf32>
    %swap3A_97 = arith.constant 96 : index
    %swap3A_98 = tpu.vector_load %arg16[%swap3A_97] {strides = array<i32>} : memref<512xf32, #tpu.memory_space<vmem>>, vector<16xf32>,
    tpu.vector_store %arg16[%swap3A_97], %mul3A_96 {strides = array<i32>} : memref<512xf32, #tpu.memory_space<vmem>>, vector<16xf32>,
    %get3A_99 = arith.constant 112 : index
    %get3A_100 = tpu.vector_load %arg10[%get3A_99] {strides = array<i32>} : memref<512xi32, #tpu.memory_space<vmem>>, vector<16xi32>,
    %gather3A_101 = tpu.vector_load_idx %arg11[%get3A_100] : memref<1008xi32, #tpu.memory_space<vmem>>[vector<16xi32>], vector<16xi32>,
    %gather3A_102 = tpu.vector_load_idx %arg12[%get3A_100] : memref<1008xf32, #tpu.memory_space<vmem>>[vector<16xi32>], vector<16xf32>,
    %gather3A_103 = tpu.vector_load_idx %arg13[%get3A_100] : memref<1008xf32, #tpu.memory_space<vmem>>[vector<16xi32>], vector<16xf32>,
    %add3A_104 = arith.constant 112 : i32
    %add3A_105 = vector.broadcast %add3A_104 : i32 to vector<16xi32>
    %add3A_106 = arith.addi %add3A_105, %iota3A : vector<16xi32>
    %gather3A_107 = tpu.vector_load_idx %arg15[%add3A_106, %gather3A_101] : memref<512x16xf32, #tpu.memory_space<vmem>>[vector<16xi32>, vector<16xi32>], vector<16xf32>,
    %sub3A_108 = arith.subf %gather3A_107, %gather3A_103 : vector<16xf32>
    %mul3A_109 = arith.mulf %gather3A_102, %sub3A_108 : vector<16xf32>
    %swap3A_110 = arith.constant 112 : index
    %swap3A_111 = tpu.vector_load %arg16[%swap3A_110] {strides = array<i32>} : memref<512xf32, #tpu.memory_space<vmem>>, vector<16xf32>,
    tpu.vector_store %arg16[%swap3A_110], %mul3A_109 {strides = array<i32>} : memref<512xf32, #tpu.memory_space<vmem>>, vector<16xf32>,
    %get3A_112 = arith.constant 128 : index
    %get3A_113 = tpu.vector_load %arg10[%get3A_112] {strides = array<i32>} : memref<512xi32, #tpu.memory_space<vmem>>, vector<16xi32>,
    %gather3A_114 = tpu.vector_load_idx %arg11[%get3A_113] : memref<1008xi32, #tpu.memory_space<vmem>>[vector<16xi32>], vector<16xi32>,
    %gather3A_115 = tpu.vector_load_idx %arg12[%get3A_113] : memref<1008xf32, #tpu.memory_space<vmem>>[vector<16xi32>], vector<16xf32>,
    %gather3A_116 = tpu.vector_load_idx %arg13[%get3A_113] : memref<1008xf32, #tpu.memory_space<vmem>>[vector<16xi32>], vector<16xf32>,
    %add3A_117 = arith.constant 128 : i32
    %add3A_118 = vector.broadcast %add3A_117 : i32 to vector<16xi32>
    %add3A_119 = arith.addi %add3A_118, %iota3A : vector<16xi32>
    %gather3A_120 = tpu.vector_load_idx %arg15[%add3A_119, %gather3A_114] : memref<512x16xf32, #tpu.memory_space<vmem>>[vector<16xi32>, vector<16xi32>], vector<16xf32>,
    %sub3A_121 = arith.subf %gather3A_120, %gather3A_116 : vector<16xf32>
    %mul3A_122 = arith.mulf %gather3A_115, %sub3A_121 : vector<16xf32>
    %swap3A_123 = arith.constant 128 : index
    %swap3A_124 = tpu.vector_load %arg16[%swap3A_123] {strides = array<i32>} : memref<512xf32, #tpu.memory_space<vmem>>, vector<16xf32>,
    tpu.vector_store %arg16[%swap3A_123], %mul3A_122 {strides = array<i32>} : memref<512xf32, #tpu.memory_space<vmem>>, vector<16xf32>,
    %get3A_125 = arith.constant 144 : index
    %get3A_126 = tpu.vector_load %arg10[%get3A_125] {strides = array<i32>} : memref<512xi32, #tpu.memory_space<vmem>>, vector<16xi32>,
    %gather3A_127 = tpu.vector_load_idx %arg11[%get3A_126] : memref<1008xi32, #tpu.memory_space<vmem>>[vector<16xi32>], vector<16xi32>,
    %gather3A_128 = tpu.vector_load_idx %arg12[%get3A_126] : memref<1008xf32, #tpu.memory_space<vmem>>[vector<16xi32>], vector<16xf32>,
    %gather3A_129 = tpu.vector_load_idx %arg13[%get3A_126] : memref<1008xf32, #tpu.memory_space<vmem>>[vector<16xi32>], vector<16xf32>,
    %add3A_130 = arith.constant 144 : i32
    %add3A_131 = vector.broadcast %add3A_130 : i32 to vector<16xi32>
    %add3A_132 = arith.addi %add3A_131, %iota3A : vector<16xi32>
    %gather3A_133 = tpu.vector_load_idx %arg15[%add3A_132, %gather3A_127] : memref<512x16xf32, #tpu.memory_space<vmem>>[vector<16xi32>, vector<16xi32>], vector<16xf32>,
    %sub3A_134 = arith.subf %gather3A_133, %gather3A_129 : vector<16xf32>
    %mul3A_135 = arith.mulf %gather3A_128, %sub3A_134 : vector<16xf32>
    %swap3A_136 = arith.constant 144 : index
    %swap3A_137 = tpu.vector_load %arg16[%swap3A_136] {strides = array<i32>} : memref<512xf32, #tpu.memory_space<vmem>>, vector<16xf32>,
    tpu.vector_store %arg16[%swap3A_136], %mul3A_135 {strides = array<i32>} : memref<512xf32, #tpu.memory_space<vmem>>, vector<16xf32>,
    %get3A_138 = arith.constant 160 : index
    %get3A_139 = tpu.vector_load %arg10[%get3A_138] {strides = array<i32>} : memref<512xi32, #tpu.memory_space<vmem>>, vector<16xi32>,
    %gather3A_140 = tpu.vector_load_idx %arg11[%get3A_139] : memref<1008xi32, #tpu.memory_space<vmem>>[vector<16xi32>], vector<16xi32>,
    %gather3A_141 = tpu.vector_load_idx %arg12[%get3A_139] : memref<1008xf32, #tpu.memory_space<vmem>>[vector<16xi32>], vector<16xf32>,
    %gather3A_142 = tpu.vector_load_idx %arg13[%get3A_139] : memref<1008xf32, #tpu.memory_space<vmem>>[vector<16xi32>], vector<16xf32>,
    %add3A_143 = arith.constant 160 : i32
    %add3A_144 = vector.broadcast %add3A_143 : i32 to vector<16xi32>
    %add3A_145 = arith.addi %add3A_144, %iota3A : vector<16xi32>
    %gather3A_146 = tpu.vector_load_idx %arg15[%add3A_145, %gather3A_140] : memref<512x16xf32, #tpu.memory_space<vmem>>[vector<16xi32>, vector<16xi32>], vector<16xf32>,
    %sub3A_147 = arith.subf %gather3A_146, %gather3A_142 : vector<16xf32>
    %mul3A_148 = arith.mulf %gather3A_141, %sub3A_147 : vector<16xf32>
    %swap3A_149 = arith.constant 160 : index
    %swap3A_150 = tpu.vector_load %arg16[%swap3A_149] {strides = array<i32>} : memref<512xf32, #tpu.memory_space<vmem>>, vector<16xf32>,
    tpu.vector_store %arg16[%swap3A_149], %mul3A_148 {strides = array<i32>} : memref<512xf32, #tpu.memory_space<vmem>>, vector<16xf32>,
    %get3A_151 = arith.constant 176 : index
    %get3A_152 = tpu.vector_load %arg10[%get3A_151] {strides = array<i32>} : memref<512xi32, #tpu.memory_space<vmem>>, vector<16xi32>,
    %gather3A_153 = tpu.vector_load_idx %arg11[%get3A_152] : memref<1008xi32, #tpu.memory_space<vmem>>[vector<16xi32>], vector<16xi32>,
    %gather3A_154 = tpu.vector_load_idx %arg12[%get3A_152] : memref<1008xf32, #tpu.memory_space<vmem>>[vector<16xi32>], vector<16xf32>,
    %gather3A_155 = tpu.vector_load_idx %arg13[%get3A_152] : memref<1008xf32, #tpu.memory_space<vmem>>[vector<16xi32>], vector<16xf32>,
    %add3A_156 = arith.constant 176 : i32
    %add3A_157 = vector.broadcast %add3A_156 : i32 to vector<16xi32>
    %add3A_158 = arith.addi %add3A_157, %iota3A : vector<16xi32>
    %gather3A_159 = tpu.vector_load_idx %arg15[%add3A_158, %gather3A_153] : memref<512x16xf32, #tpu.memory_space<vmem>>[vector<16xi32>, vector<16xi32>], vector<16xf32>,
    %sub3A_160 = arith.subf %gather3A_159, %gather3A_155 : vector<16xf32>
    %mul3A_161 = arith.mulf %gather3A_154, %sub3A_160 : vector<16xf32>
    %swap3A_162 = arith.constant 176 : index
    %swap3A_163 = tpu.vector_load %arg16[%swap3A_162] {strides = array<i32>} : memref<512xf32, #tpu.memory_space<vmem>>, vector<16xf32>,
    tpu.vector_store %arg16[%swap3A_162], %mul3A_161 {strides = array<i32>} : memref<512xf32, #tpu.memory_space<vmem>>, vector<16xf32>,
    %get3A_164 = arith.constant 192 : index
    %get3A_165 = tpu.vector_load %arg10[%get3A_164] {strides = array<i32>} : memref<512xi32, #tpu.memory_space<vmem>>, vector<16xi32>,
    %gather3A_166 = tpu.vector_load_idx %arg11[%get3A_165] : memref<1008xi32, #tpu.memory_space<vmem>>[vector<16xi32>], vector<16xi32>,
    %gather3A_167 = tpu.vector_load_idx %arg12[%get3A_165] : memref<1008xf32, #tpu.memory_space<vmem>>[vector<16xi32>], vector<16xf32>,
    %gather3A_168 = tpu.vector_load_idx %arg13[%get3A_165] : memref<1008xf32, #tpu.memory_space<vmem>>[vector<16xi32>], vector<16xf32>,
    %add3A_169 = arith.constant 192 : i32
    %add3A_170 = vector.broadcast %add3A_169 : i32 to vector<16xi32>
    %add3A_171 = arith.addi %add3A_170, %iota3A : vector<16xi32>
    %gather3A_172 = tpu.vector_load_idx %arg15[%add3A_171, %gather3A_166] : memref<512x16xf32, #tpu.memory_space<vmem>>[vector<16xi32>, vector<16xi32>], vector<16xf32>,
    %sub3A_173 = arith.subf %gather3A_172, %gather3A_168 : vector<16xf32>
    %mul3A_174 = arith.mulf %gather3A_167, %sub3A_173 : vector<16xf32>
    %swap3A_175 = arith.constant 192 : index
    %swap3A_176 = tpu.vector_load %arg16[%swap3A_175] {strides = array<i32>} : memref<512xf32, #tpu.memory_space<vmem>>, vector<16xf32>,
    tpu.vector_store %arg16[%swap3A_175], %mul3A_174 {strides = array<i32>} : memref<512xf32, #tpu.memory_space<vmem>>, vector<16xf32>,
    %get3A_177 = arith.constant 208 : index
    %get3A_178 = tpu.vector_load %arg10[%get3A_177] {strides = array<i32>} : memref<512xi32, #tpu.memory_space<vmem>>, vector<16xi32>,
    %gather3A_179 = tpu.vector_load_idx %arg11[%get3A_178] : memref<1008xi32, #tpu.memory_space<vmem>>[vector<16xi32>], vector<16xi32>,
    %gather3A_180 = tpu.vector_load_idx %arg12[%get3A_178] : memref<1008xf32, #tpu.memory_space<vmem>>[vector<16xi32>], vector<16xf32>,
    %gather3A_181 = tpu.vector_load_idx %arg13[%get3A_178] : memref<1008xf32, #tpu.memory_space<vmem>>[vector<16xi32>], vector<16xf32>,
    %add3A_182 = arith.constant 208 : i32
    %add3A_183 = vector.broadcast %add3A_182 : i32 to vector<16xi32>
    %add3A_184 = arith.addi %add3A_183, %iota3A : vector<16xi32>
    %gather3A_185 = tpu.vector_load_idx %arg15[%add3A_184, %gather3A_179] : memref<512x16xf32, #tpu.memory_space<vmem>>[vector<16xi32>, vector<16xi32>], vector<16xf32>,
    %sub3A_186 = arith.subf %gather3A_185, %gather3A_181 : vector<16xf32>
    %mul3A_187 = arith.mulf %gather3A_180, %sub3A_186 : vector<16xf32>
    %swap3A_188 = arith.constant 208 : index
    %swap3A_189 = tpu.vector_load %arg16[%swap3A_188] {strides = array<i32>} : memref<512xf32, #tpu.memory_space<vmem>>, vector<16xf32>,
    tpu.vector_store %arg16[%swap3A_188], %mul3A_187 {strides = array<i32>} : memref<512xf32, #tpu.memory_space<vmem>>, vector<16xf32>,
    %get3A_190 = arith.constant 224 : index
    %get3A_191 = tpu.vector_load %arg10[%get3A_190] {strides = array<i32>} : memref<512xi32, #tpu.memory_space<vmem>>, vector<16xi32>,
    %gather3A_192 = tpu.vector_load_idx %arg11[%get3A_191] : memref<1008xi32, #tpu.memory_space<vmem>>[vector<16xi32>], vector<16xi32>,
    %gather3A_193 = tpu.vector_load_idx %arg12[%get3A_191] : memref<1008xf32, #tpu.memory_space<vmem>>[vector<16xi32>], vector<16xf32>,
    %gather3A_194 = tpu.vector_load_idx %arg13[%get3A_191] : memref<1008xf32, #tpu.memory_space<vmem>>[vector<16xi32>], vector<16xf32>,
    %add3A_195 = arith.constant 224 : i32
    %add3A_196 = vector.broadcast %add3A_195 : i32 to vector<16xi32>
    %add3A_197 = arith.addi %add3A_196, %iota3A : vector<16xi32>
    %gather3A_198 = tpu.vector_load_idx %arg15[%add3A_197, %gather3A_192] : memref<512x16xf32, #tpu.memory_space<vmem>>[vector<16xi32>, vector<16xi32>], vector<16xf32>,
    %sub3A_199 = arith.subf %gather3A_198, %gather3A_194 : vector<16xf32>
    %mul3A_200 = arith.mulf %gather3A_193, %sub3A_199 : vector<16xf32>
    %swap3A_201 = arith.constant 224 : index
    %swap3A_202 = tpu.vector_load %arg16[%swap3A_201] {strides = array<i32>} : memref<512xf32, #tpu.memory_space<vmem>>, vector<16xf32>,
    tpu.vector_store %arg16[%swap3A_201], %mul3A_200 {strides = array<i32>} : memref<512xf32, #tpu.memory_space<vmem>>, vector<16xf32>,
    %get3A_203 = arith.constant 240 : index
    %get3A_204 = tpu.vector_load %arg10[%get3A_203] {strides = array<i32>} : memref<512xi32, #tpu.memory_space<vmem>>, vector<16xi32>,
    %gather3A_205 = tpu.vector_load_idx %arg11[%get3A_204] : memref<1008xi32, #tpu.memory_space<vmem>>[vector<16xi32>], vector<16xi32>,
    %gather3A_206 = tpu.vector_load_idx %arg12[%get3A_204] : memref<1008xf32, #tpu.memory_space<vmem>>[vector<16xi32>], vector<16xf32>,
    %gather3A_207 = tpu.vector_load_idx %arg13[%get3A_204] : memref<1008xf32, #tpu.memory_space<vmem>>[vector<16xi32>], vector<16xf32>,
    %add3A_208 = arith.constant 240 : i32
    %add3A_209 = vector.broadcast %add3A_208 : i32 to vector<16xi32>
    %add3A_210 = arith.addi %add3A_209, %iota3A : vector<16xi32>
    %gather3A_211 = tpu.vector_load_idx %arg15[%add3A_210, %gather3A_205] : memref<512x16xf32, #tpu.memory_space<vmem>>[vector<16xi32>, vector<16xi32>], vector<16xf32>,
    %sub3A_212 = arith.subf %gather3A_211, %gather3A_207 : vector<16xf32>
    %mul3A_213 = arith.mulf %gather3A_206, %sub3A_212 : vector<16xf32>
    %swap3A_214 = arith.constant 240 : index
    %swap3A_215 = tpu.vector_load %arg16[%swap3A_214] {strides = array<i32>} : memref<512xf32, #tpu.memory_space<vmem>>, vector<16xf32>,
    tpu.vector_store %arg16[%swap3A_214], %mul3A_213 {strides = array<i32>} : memref<512xf32, #tpu.memory_space<vmem>>, vector<16xf32>,
    %get3A_216 = arith.constant 256 : index
    %get3A_217 = tpu.vector_load %arg10[%get3A_216] {strides = array<i32>} : memref<512xi32, #tpu.memory_space<vmem>>, vector<16xi32>,
    %gather3A_218 = tpu.vector_load_idx %arg11[%get3A_217] : memref<1008xi32, #tpu.memory_space<vmem>>[vector<16xi32>], vector<16xi32>,
    %gather3A_219 = tpu.vector_load_idx %arg12[%get3A_217] : memref<1008xf32, #tpu.memory_space<vmem>>[vector<16xi32>], vector<16xf32>,
    %gather3A_220 = tpu.vector_load_idx %arg13[%get3A_217] : memref<1008xf32, #tpu.memory_space<vmem>>[vector<16xi32>], vector<16xf32>,
    %add3A_221 = arith.constant 256 : i32
    %add3A_222 = vector.broadcast %add3A_221 : i32 to vector<16xi32>
    %add3A_223 = arith.addi %add3A_222, %iota3A : vector<16xi32>
    %gather3A_224 = tpu.vector_load_idx %arg15[%add3A_223, %gather3A_218] : memref<512x16xf32, #tpu.memory_space<vmem>>[vector<16xi32>, vector<16xi32>], vector<16xf32>,
    %sub3A_225 = arith.subf %gather3A_224, %gather3A_220 : vector<16xf32>
    %mul3A_226 = arith.mulf %gather3A_219, %sub3A_225 : vector<16xf32>
    %swap3A_227 = arith.constant 256 : index
    %swap3A_228 = tpu.vector_load %arg16[%swap3A_227] {strides = array<i32>} : memref<512xf32, #tpu.memory_space<vmem>>, vector<16xf32>,
    tpu.vector_store %arg16[%swap3A_227], %mul3A_226 {strides = array<i32>} : memref<512xf32, #tpu.memory_space<vmem>>, vector<16xf32>,
    %get3A_229 = arith.constant 272 : index
    %get3A_230 = tpu.vector_load %arg10[%get3A_229] {strides = array<i32>} : memref<512xi32, #tpu.memory_space<vmem>>, vector<16xi32>,
    %gather3A_231 = tpu.vector_load_idx %arg11[%get3A_230] : memref<1008xi32, #tpu.memory_space<vmem>>[vector<16xi32>], vector<16xi32>,
    %gather3A_232 = tpu.vector_load_idx %arg12[%get3A_230] : memref<1008xf32, #tpu.memory_space<vmem>>[vector<16xi32>], vector<16xf32>,
    %gather3A_233 = tpu.vector_load_idx %arg13[%get3A_230] : memref<1008xf32, #tpu.memory_space<vmem>>[vector<16xi32>], vector<16xf32>,
    %add3A_234 = arith.constant 272 : i32
    %add3A_235 = vector.broadcast %add3A_234 : i32 to vector<16xi32>
    %add3A_236 = arith.addi %add3A_235, %iota3A : vector<16xi32>
    %gather3A_237 = tpu.vector_load_idx %arg15[%add3A_236, %gather3A_231] : memref<512x16xf32, #tpu.memory_space<vmem>>[vector<16xi32>, vector<16xi32>], vector<16xf32>,
    %sub3A_238 = arith.subf %gather3A_237, %gather3A_233 : vector<16xf32>
    %mul3A_239 = arith.mulf %gather3A_232, %sub3A_238 : vector<16xf32>
    %swap3A_240 = arith.constant 272 : index
    %swap3A_241 = tpu.vector_load %arg16[%swap3A_240] {strides = array<i32>} : memref<512xf32, #tpu.memory_space<vmem>>, vector<16xf32>,
    tpu.vector_store %arg16[%swap3A_240], %mul3A_239 {strides = array<i32>} : memref<512xf32, #tpu.memory_space<vmem>>, vector<16xf32>,
    %get3A_242 = arith.constant 288 : index
    %get3A_243 = tpu.vector_load %arg10[%get3A_242] {strides = array<i32>} : memref<512xi32, #tpu.memory_space<vmem>>, vector<16xi32>,
    %gather3A_244 = tpu.vector_load_idx %arg11[%get3A_243] : memref<1008xi32, #tpu.memory_space<vmem>>[vector<16xi32>], vector<16xi32>,
    %gather3A_245 = tpu.vector_load_idx %arg12[%get3A_243] : memref<1008xf32, #tpu.memory_space<vmem>>[vector<16xi32>], vector<16xf32>,
    %gather3A_246 = tpu.vector_load_idx %arg13[%get3A_243] : memref<1008xf32, #tpu.memory_space<vmem>>[vector<16xi32>], vector<16xf32>,
    %add3A_247 = arith.constant 288 : i32
    %add3A_248 = vector.broadcast %add3A_247 : i32 to vector<16xi32>
    %add3A_249 = arith.addi %add3A_248, %iota3A : vector<16xi32>
    %gather3A_250 = tpu.vector_load_idx %arg15[%add3A_249, %gather3A_244] : memref<512x16xf32, #tpu.memory_space<vmem>>[vector<16xi32>, vector<16xi32>], vector<16xf32>,
    %sub3A_251 = arith.subf %gather3A_250, %gather3A_246 : vector<16xf32>
    %mul3A_252 = arith.mulf %gather3A_245, %sub3A_251 : vector<16xf32>
    %swap3A_253 = arith.constant 288 : index
    %swap3A_254 = tpu.vector_load %arg16[%swap3A_253] {strides = array<i32>} : memref<512xf32, #tpu.memory_space<vmem>>, vector<16xf32>,
    tpu.vector_store %arg16[%swap3A_253], %mul3A_252 {strides = array<i32>} : memref<512xf32, #tpu.memory_space<vmem>>, vector<16xf32>,
    %get3A_255 = arith.constant 304 : index
    %get3A_256 = tpu.vector_load %arg10[%get3A_255] {strides = array<i32>} : memref<512xi32, #tpu.memory_space<vmem>>, vector<16xi32>,
    %gather3A_257 = tpu.vector_load_idx %arg11[%get3A_256] : memref<1008xi32, #tpu.memory_space<vmem>>[vector<16xi32>], vector<16xi32>,
    %gather3A_258 = tpu.vector_load_idx %arg12[%get3A_256] : memref<1008xf32, #tpu.memory_space<vmem>>[vector<16xi32>], vector<16xf32>,
    %gather3A_259 = tpu.vector_load_idx %arg13[%get3A_256] : memref<1008xf32, #tpu.memory_space<vmem>>[vector<16xi32>], vector<16xf32>,
    %add3A_260 = arith.constant 304 : i32
    %add3A_261 = vector.broadcast %add3A_260 : i32 to vector<16xi32>
    %add3A_262 = arith.addi %add3A_261, %iota3A : vector<16xi32>
    %gather3A_263 = tpu.vector_load_idx %arg15[%add3A_262, %gather3A_257] : memref<512x16xf32, #tpu.memory_space<vmem>>[vector<16xi32>, vector<16xi32>], vector<16xf32>,
    %sub3A_264 = arith.subf %gather3A_263, %gather3A_259 : vector<16xf32>
    %mul3A_265 = arith.mulf %gather3A_258, %sub3A_264 : vector<16xf32>
    %swap3A_266 = arith.constant 304 : index
    %swap3A_267 = tpu.vector_load %arg16[%swap3A_266] {strides = array<i32>} : memref<512xf32, #tpu.memory_space<vmem>>, vector<16xf32>,
    tpu.vector_store %arg16[%swap3A_266], %mul3A_265 {strides = array<i32>} : memref<512xf32, #tpu.memory_space<vmem>>, vector<16xf32>,
    %get3A_268 = arith.constant 320 : index
    %get3A_269 = tpu.vector_load %arg10[%get3A_268] {strides = array<i32>} : memref<512xi32, #tpu.memory_space<vmem>>, vector<16xi32>,
    %gather3A_270 = tpu.vector_load_idx %arg11[%get3A_269] : memref<1008xi32, #tpu.memory_space<vmem>>[vector<16xi32>], vector<16xi32>,
    %gather3A_271 = tpu.vector_load_idx %arg12[%get3A_269] : memref<1008xf32, #tpu.memory_space<vmem>>[vector<16xi32>], vector<16xf32>,
    %gather3A_272 = tpu.vector_load_idx %arg13[%get3A_269] : memref<1008xf32, #tpu.memory_space<vmem>>[vector<16xi32>], vector<16xf32>,
    %add3A_273 = arith.constant 320 : i32
    %add3A_274 = vector.broadcast %add3A_273 : i32 to vector<16xi32>
    %add3A_275 = arith.addi %add3A_274, %iota3A : vector<16xi32>
    %gather3A_276 = tpu.vector_load_idx %arg15[%add3A_275, %gather3A_270] : memref<512x16xf32, #tpu.memory_space<vmem>>[vector<16xi32>, vector<16xi32>], vector<16xf32>,
    %sub3A_277 = arith.subf %gather3A_276, %gather3A_272 : vector<16xf32>
    %mul3A_278 = arith.mulf %gather3A_271, %sub3A_277 : vector<16xf32>
    %swap3A_279 = arith.constant 320 : index
    %swap3A_280 = tpu.vector_load %arg16[%swap3A_279] {strides = array<i32>} : memref<512xf32, #tpu.memory_space<vmem>>, vector<16xf32>,
    tpu.vector_store %arg16[%swap3A_279], %mul3A_278 {strides = array<i32>} : memref<512xf32, #tpu.memory_space<vmem>>, vector<16xf32>,
    %get3A_281 = arith.constant 336 : index
    %get3A_282 = tpu.vector_load %arg10[%get3A_281] {strides = array<i32>} : memref<512xi32, #tpu.memory_space<vmem>>, vector<16xi32>,
    %gather3A_283 = tpu.vector_load_idx %arg11[%get3A_282] : memref<1008xi32, #tpu.memory_space<vmem>>[vector<16xi32>], vector<16xi32>,
    %gather3A_284 = tpu.vector_load_idx %arg12[%get3A_282] : memref<1008xf32, #tpu.memory_space<vmem>>[vector<16xi32>], vector<16xf32>,
    %gather3A_285 = tpu.vector_load_idx %arg13[%get3A_282] : memref<1008xf32, #tpu.memory_space<vmem>>[vector<16xi32>], vector<16xf32>,
    %add3A_286 = arith.constant 336 : i32
    %add3A_287 = vector.broadcast %add3A_286 : i32 to vector<16xi32>
    %add3A_288 = arith.addi %add3A_287, %iota3A : vector<16xi32>
    %gather3A_289 = tpu.vector_load_idx %arg15[%add3A_288, %gather3A_283] : memref<512x16xf32, #tpu.memory_space<vmem>>[vector<16xi32>, vector<16xi32>], vector<16xf32>,
    %sub3A_290 = arith.subf %gather3A_289, %gather3A_285 : vector<16xf32>
    %mul3A_291 = arith.mulf %gather3A_284, %sub3A_290 : vector<16xf32>
    %swap3A_292 = arith.constant 336 : index
    %swap3A_293 = tpu.vector_load %arg16[%swap3A_292] {strides = array<i32>} : memref<512xf32, #tpu.memory_space<vmem>>, vector<16xf32>,
    tpu.vector_store %arg16[%swap3A_292], %mul3A_291 {strides = array<i32>} : memref<512xf32, #tpu.memory_space<vmem>>, vector<16xf32>,
    %get3A_294 = arith.constant 352 : index
    %get3A_295 = tpu.vector_load %arg10[%get3A_294] {strides = array<i32>} : memref<512xi32, #tpu.memory_space<vmem>>, vector<16xi32>,
    %gather3A_296 = tpu.vector_load_idx %arg11[%get3A_295] : memref<1008xi32, #tpu.memory_space<vmem>>[vector<16xi32>], vector<16xi32>,
    %gather3A_297 = tpu.vector_load_idx %arg12[%get3A_295] : memref<1008xf32, #tpu.memory_space<vmem>>[vector<16xi32>], vector<16xf32>,
    %gather3A_298 = tpu.vector_load_idx %arg13[%get3A_295] : memref<1008xf32, #tpu.memory_space<vmem>>[vector<16xi32>], vector<16xf32>,
    %add3A_299 = arith.constant 352 : i32
    %add3A_300 = vector.broadcast %add3A_299 : i32 to vector<16xi32>
    %add3A_301 = arith.addi %add3A_300, %iota3A : vector<16xi32>
    %gather3A_302 = tpu.vector_load_idx %arg15[%add3A_301, %gather3A_296] : memref<512x16xf32, #tpu.memory_space<vmem>>[vector<16xi32>, vector<16xi32>], vector<16xf32>,
    %sub3A_303 = arith.subf %gather3A_302, %gather3A_298 : vector<16xf32>
    %mul3A_304 = arith.mulf %gather3A_297, %sub3A_303 : vector<16xf32>
    %swap3A_305 = arith.constant 352 : index
    %swap3A_306 = tpu.vector_load %arg16[%swap3A_305] {strides = array<i32>} : memref<512xf32, #tpu.memory_space<vmem>>, vector<16xf32>,
    tpu.vector_store %arg16[%swap3A_305], %mul3A_304 {strides = array<i32>} : memref<512xf32, #tpu.memory_space<vmem>>, vector<16xf32>,
    %get3A_307 = arith.constant 368 : index
    %get3A_308 = tpu.vector_load %arg10[%get3A_307] {strides = array<i32>} : memref<512xi32, #tpu.memory_space<vmem>>, vector<16xi32>,
    %gather3A_309 = tpu.vector_load_idx %arg11[%get3A_308] : memref<1008xi32, #tpu.memory_space<vmem>>[vector<16xi32>], vector<16xi32>,
    %gather3A_310 = tpu.vector_load_idx %arg12[%get3A_308] : memref<1008xf32, #tpu.memory_space<vmem>>[vector<16xi32>], vector<16xf32>,
    %gather3A_311 = tpu.vector_load_idx %arg13[%get3A_308] : memref<1008xf32, #tpu.memory_space<vmem>>[vector<16xi32>], vector<16xf32>,
    %add3A_312 = arith.constant 368 : i32
    %add3A_313 = vector.broadcast %add3A_312 : i32 to vector<16xi32>
    %add3A_314 = arith.addi %add3A_313, %iota3A : vector<16xi32>
    %gather3A_315 = tpu.vector_load_idx %arg15[%add3A_314, %gather3A_309] : memref<512x16xf32, #tpu.memory_space<vmem>>[vector<16xi32>, vector<16xi32>], vector<16xf32>,
    %sub3A_316 = arith.subf %gather3A_315, %gather3A_311 : vector<16xf32>
    %mul3A_317 = arith.mulf %gather3A_310, %sub3A_316 : vector<16xf32>
    %swap3A_318 = arith.constant 368 : index
    %swap3A_319 = tpu.vector_load %arg16[%swap3A_318] {strides = array<i32>} : memref<512xf32, #tpu.memory_space<vmem>>, vector<16xf32>,
    tpu.vector_store %arg16[%swap3A_318], %mul3A_317 {strides = array<i32>} : memref<512xf32, #tpu.memory_space<vmem>>, vector<16xf32>,
    %get3A_320 = arith.constant 384 : index
    %get3A_321 = tpu.vector_load %arg10[%get3A_320] {strides = array<i32>} : memref<512xi32, #tpu.memory_space<vmem>>, vector<16xi32>,
    %gather3A_322 = tpu.vector_load_idx %arg11[%get3A_321] : memref<1008xi32, #tpu.memory_space<vmem>>[vector<16xi32>], vector<16xi32>,
    %gather3A_323 = tpu.vector_load_idx %arg12[%get3A_321] : memref<1008xf32, #tpu.memory_space<vmem>>[vector<16xi32>], vector<16xf32>,
    %gather3A_324 = tpu.vector_load_idx %arg13[%get3A_321] : memref<1008xf32, #tpu.memory_space<vmem>>[vector<16xi32>], vector<16xf32>,
    %add3A_325 = arith.constant 384 : i32
    %add3A_326 = vector.broadcast %add3A_325 : i32 to vector<16xi32>
    %add3A_327 = arith.addi %add3A_326, %iota3A : vector<16xi32>
    %gather3A_328 = tpu.vector_load_idx %arg15[%add3A_327, %gather3A_322] : memref<512x16xf32, #tpu.memory_space<vmem>>[vector<16xi32>, vector<16xi32>], vector<16xf32>,
    %sub3A_329 = arith.subf %gather3A_328, %gather3A_324 : vector<16xf32>
    %mul3A_330 = arith.mulf %gather3A_323, %sub3A_329 : vector<16xf32>
    %swap3A_331 = arith.constant 384 : index
    %swap3A_332 = tpu.vector_load %arg16[%swap3A_331] {strides = array<i32>} : memref<512xf32, #tpu.memory_space<vmem>>, vector<16xf32>,
    tpu.vector_store %arg16[%swap3A_331], %mul3A_330 {strides = array<i32>} : memref<512xf32, #tpu.memory_space<vmem>>, vector<16xf32>,
    %get3A_333 = arith.constant 400 : index
    %get3A_334 = tpu.vector_load %arg10[%get3A_333] {strides = array<i32>} : memref<512xi32, #tpu.memory_space<vmem>>, vector<16xi32>,
    %gather3A_335 = tpu.vector_load_idx %arg11[%get3A_334] : memref<1008xi32, #tpu.memory_space<vmem>>[vector<16xi32>], vector<16xi32>,
    %gather3A_336 = tpu.vector_load_idx %arg12[%get3A_334] : memref<1008xf32, #tpu.memory_space<vmem>>[vector<16xi32>], vector<16xf32>,
    %gather3A_337 = tpu.vector_load_idx %arg13[%get3A_334] : memref<1008xf32, #tpu.memory_space<vmem>>[vector<16xi32>], vector<16xf32>,
    %add3A_338 = arith.constant 400 : i32
    %add3A_339 = vector.broadcast %add3A_338 : i32 to vector<16xi32>
    %add3A_340 = arith.addi %add3A_339, %iota3A : vector<16xi32>
    %gather3A_341 = tpu.vector_load_idx %arg15[%add3A_340, %gather3A_335] : memref<512x16xf32, #tpu.memory_space<vmem>>[vector<16xi32>, vector<16xi32>], vector<16xf32>,
    %sub3A_342 = arith.subf %gather3A_341, %gather3A_337 : vector<16xf32>
    %mul3A_343 = arith.mulf %gather3A_336, %sub3A_342 : vector<16xf32>
    %swap3A_344 = arith.constant 400 : index
    %swap3A_345 = tpu.vector_load %arg16[%swap3A_344] {strides = array<i32>} : memref<512xf32, #tpu.memory_space<vmem>>, vector<16xf32>,
    tpu.vector_store %arg16[%swap3A_344], %mul3A_343 {strides = array<i32>} : memref<512xf32, #tpu.memory_space<vmem>>, vector<16xf32>,
    %get3A_346 = arith.constant 416 : index
    %get3A_347 = tpu.vector_load %arg10[%get3A_346] {strides = array<i32>} : memref<512xi32, #tpu.memory_space<vmem>>, vector<16xi32>,
    %gather3A_348 = tpu.vector_load_idx %arg11[%get3A_347] : memref<1008xi32, #tpu.memory_space<vmem>>[vector<16xi32>], vector<16xi32>,
    %gather3A_349 = tpu.vector_load_idx %arg12[%get3A_347] : memref<1008xf32, #tpu.memory_space<vmem>>[vector<16xi32>], vector<16xf32>,
    %gather3A_350 = tpu.vector_load_idx %arg13[%get3A_347] : memref<1008xf32, #tpu.memory_space<vmem>>[vector<16xi32>], vector<16xf32>,
    %add3A_351 = arith.constant 416 : i32
    %add3A_352 = vector.broadcast %add3A_351 : i32 to vector<16xi32>
    %add3A_353 = arith.addi %add3A_352, %iota3A : vector<16xi32>
    %gather3A_354 = tpu.vector_load_idx %arg15[%add3A_353, %gather3A_348] : memref<512x16xf32, #tpu.memory_space<vmem>>[vector<16xi32>, vector<16xi32>], vector<16xf32>,
    %sub3A_355 = arith.subf %gather3A_354, %gather3A_350 : vector<16xf32>
    %mul3A_356 = arith.mulf %gather3A_349, %sub3A_355 : vector<16xf32>
    %swap3A_357 = arith.constant 416 : index
    %swap3A_358 = tpu.vector_load %arg16[%swap3A_357] {strides = array<i32>} : memref<512xf32, #tpu.memory_space<vmem>>, vector<16xf32>,
    tpu.vector_store %arg16[%swap3A_357], %mul3A_356 {strides = array<i32>} : memref<512xf32, #tpu.memory_space<vmem>>, vector<16xf32>,
    %get3A_359 = arith.constant 432 : index
    %get3A_360 = tpu.vector_load %arg10[%get3A_359] {strides = array<i32>} : memref<512xi32, #tpu.memory_space<vmem>>, vector<16xi32>,
    %gather3A_361 = tpu.vector_load_idx %arg11[%get3A_360] : memref<1008xi32, #tpu.memory_space<vmem>>[vector<16xi32>], vector<16xi32>,
    %gather3A_362 = tpu.vector_load_idx %arg12[%get3A_360] : memref<1008xf32, #tpu.memory_space<vmem>>[vector<16xi32>], vector<16xf32>,
    %gather3A_363 = tpu.vector_load_idx %arg13[%get3A_360] : memref<1008xf32, #tpu.memory_space<vmem>>[vector<16xi32>], vector<16xf32>,
    %add3A_364 = arith.constant 432 : i32
    %add3A_365 = vector.broadcast %add3A_364 : i32 to vector<16xi32>
    %add3A_366 = arith.addi %add3A_365, %iota3A : vector<16xi32>
    %gather3A_367 = tpu.vector_load_idx %arg15[%add3A_366, %gather3A_361] : memref<512x16xf32, #tpu.memory_space<vmem>>[vector<16xi32>, vector<16xi32>], vector<16xf32>,
    %sub3A_368 = arith.subf %gather3A_367, %gather3A_363 : vector<16xf32>
    %mul3A_369 = arith.mulf %gather3A_362, %sub3A_368 : vector<16xf32>
    %swap3A_370 = arith.constant 432 : index
    %swap3A_371 = tpu.vector_load %arg16[%swap3A_370] {strides = array<i32>} : memref<512xf32, #tpu.memory_space<vmem>>, vector<16xf32>,
    tpu.vector_store %arg16[%swap3A_370], %mul3A_369 {strides = array<i32>} : memref<512xf32, #tpu.memory_space<vmem>>, vector<16xf32>,
    %get3A_372 = arith.constant 448 : index
    %get3A_373 = tpu.vector_load %arg10[%get3A_372] {strides = array<i32>} : memref<512xi32, #tpu.memory_space<vmem>>, vector<16xi32>,
    %gather3A_374 = tpu.vector_load_idx %arg11[%get3A_373] : memref<1008xi32, #tpu.memory_space<vmem>>[vector<16xi32>], vector<16xi32>,
    %gather3A_375 = tpu.vector_load_idx %arg12[%get3A_373] : memref<1008xf32, #tpu.memory_space<vmem>>[vector<16xi32>], vector<16xf32>,
    %gather3A_376 = tpu.vector_load_idx %arg13[%get3A_373] : memref<1008xf32, #tpu.memory_space<vmem>>[vector<16xi32>], vector<16xf32>,
    %add3A_377 = arith.constant 448 : i32
    %add3A_378 = vector.broadcast %add3A_377 : i32 to vector<16xi32>
    %add3A_379 = arith.addi %add3A_378, %iota3A : vector<16xi32>
    %gather3A_380 = tpu.vector_load_idx %arg15[%add3A_379, %gather3A_374] : memref<512x16xf32, #tpu.memory_space<vmem>>[vector<16xi32>, vector<16xi32>], vector<16xf32>,
    %sub3A_381 = arith.subf %gather3A_380, %gather3A_376 : vector<16xf32>
    %mul3A_382 = arith.mulf %gather3A_375, %sub3A_381 : vector<16xf32>
    %swap3A_383 = arith.constant 448 : index
    %swap3A_384 = tpu.vector_load %arg16[%swap3A_383] {strides = array<i32>} : memref<512xf32, #tpu.memory_space<vmem>>, vector<16xf32>,
    tpu.vector_store %arg16[%swap3A_383], %mul3A_382 {strides = array<i32>} : memref<512xf32, #tpu.memory_space<vmem>>, vector<16xf32>,
    %get3A_385 = arith.constant 464 : index
    %get3A_386 = tpu.vector_load %arg10[%get3A_385] {strides = array<i32>} : memref<512xi32, #tpu.memory_space<vmem>>, vector<16xi32>,
    %gather3A_387 = tpu.vector_load_idx %arg11[%get3A_386] : memref<1008xi32, #tpu.memory_space<vmem>>[vector<16xi32>], vector<16xi32>,
    %gather3A_388 = tpu.vector_load_idx %arg12[%get3A_386] : memref<1008xf32, #tpu.memory_space<vmem>>[vector<16xi32>], vector<16xf32>,
    %gather3A_389 = tpu.vector_load_idx %arg13[%get3A_386] : memref<1008xf32, #tpu.memory_space<vmem>>[vector<16xi32>], vector<16xf32>,
    %add3A_390 = arith.constant 464 : i32
    %add3A_391 = vector.broadcast %add3A_390 : i32 to vector<16xi32>
    %add3A_392 = arith.addi %add3A_391, %iota3A : vector<16xi32>
    %gather3A_393 = tpu.vector_load_idx %arg15[%add3A_392, %gather3A_387] : memref<512x16xf32, #tpu.memory_space<vmem>>[vector<16xi32>, vector<16xi32>], vector<16xf32>,
    %sub3A_394 = arith.subf %gather3A_393, %gather3A_389 : vector<16xf32>
    %mul3A_395 = arith.mulf %gather3A_388, %sub3A_394 : vector<16xf32>
    %swap3A_396 = arith.constant 464 : index
    %swap3A_397 = tpu.vector_load %arg16[%swap3A_396] {strides = array<i32>} : memref<512xf32, #tpu.memory_space<vmem>>, vector<16xf32>,
    tpu.vector_store %arg16[%swap3A_396], %mul3A_395 {strides = array<i32>} : memref<512xf32, #tpu.memory_space<vmem>>, vector<16xf32>,
    %get3A_398 = arith.constant 480 : index
    %get3A_399 = tpu.vector_load %arg10[%get3A_398] {strides = array<i32>} : memref<512xi32, #tpu.memory_space<vmem>>, vector<16xi32>,
    %gather3A_400 = tpu.vector_load_idx %arg11[%get3A_399] : memref<1008xi32, #tpu.memory_space<vmem>>[vector<16xi32>], vector<16xi32>,
    %gather3A_401 = tpu.vector_load_idx %arg12[%get3A_399] : memref<1008xf32, #tpu.memory_space<vmem>>[vector<16xi32>], vector<16xf32>,
    %gather3A_402 = tpu.vector_load_idx %arg13[%get3A_399] : memref<1008xf32, #tpu.memory_space<vmem>>[vector<16xi32>], vector<16xf32>,
    %add3A_403 = arith.constant 480 : i32
    %add3A_404 = vector.broadcast %add3A_403 : i32 to vector<16xi32>
    %add3A_405 = arith.addi %add3A_404, %iota3A : vector<16xi32>
    %gather3A_406 = tpu.vector_load_idx %arg15[%add3A_405, %gather3A_400] : memref<512x16xf32, #tpu.memory_space<vmem>>[vector<16xi32>, vector<16xi32>], vector<16xf32>,
    %sub3A_407 = arith.subf %gather3A_406, %gather3A_402 : vector<16xf32>
    %mul3A_408 = arith.mulf %gather3A_401, %sub3A_407 : vector<16xf32>
    %swap3A_409 = arith.constant 480 : index
    %swap3A_410 = tpu.vector_load %arg16[%swap3A_409] {strides = array<i32>} : memref<512xf32, #tpu.memory_space<vmem>>, vector<16xf32>,
    tpu.vector_store %arg16[%swap3A_409], %mul3A_408 {strides = array<i32>} : memref<512xf32, #tpu.memory_space<vmem>>, vector<16xf32>,
    %get3A_411 = arith.constant 496 : index
    %get3A_412 = tpu.vector_load %arg10[%get3A_411] {strides = array<i32>} : memref<512xi32, #tpu.memory_space<vmem>>, vector<16xi32>,
    %gather3A_413 = tpu.vector_load_idx %arg11[%get3A_412] : memref<1008xi32, #tpu.memory_space<vmem>>[vector<16xi32>], vector<16xi32>,
    %gather3A_414 = tpu.vector_load_idx %arg12[%get3A_412] : memref<1008xf32, #tpu.memory_space<vmem>>[vector<16xi32>], vector<16xf32>,
    %gather3A_415 = tpu.vector_load_idx %arg13[%get3A_412] : memref<1008xf32, #tpu.memory_space<vmem>>[vector<16xi32>], vector<16xf32>,
    %add3A_416 = arith.constant 496 : i32
    %add3A_417 = vector.broadcast %add3A_416 : i32 to vector<16xi32>
    %add3A_418 = arith.addi %add3A_417, %iota3A : vector<16xi32>
    %gather3A_419 = tpu.vector_load_idx %arg15[%add3A_418, %gather3A_413] : memref<512x16xf32, #tpu.memory_space<vmem>>[vector<16xi32>, vector<16xi32>], vector<16xf32>,
    %sub3A_420 = arith.subf %gather3A_419, %gather3A_415 : vector<16xf32>
    %mul3A_421 = arith.mulf %gather3A_414, %sub3A_420 : vector<16xf32>
    %swap3A_422 = arith.constant 496 : index
    %swap3A_423 = tpu.vector_load %arg16[%swap3A_422] {strides = array<i32>} : memref<512xf32, #tpu.memory_space<vmem>>, vector<16xf32>,
    tpu.vector_store %arg16[%swap3A_422], %mul3A_421 {strides = array<i32>} : memref<512xf32, #tpu.memory_space<vmem>>, vector<16xf32>,
    "tpu.region"() ({
      %run_scoped3A = tpu.sem_alloc : memref<!tpu.dma_semaphore, #tpu.memory_space<semaphore_mem>>
      %dma_start3A = tpu.memref_slice %arg8[%mul3A_2] : memref<16384xf32, #tpu.memory_space<hbm>> -> memref<512xf32, #tpu.memory_space<hbm>>
      %dma_start3A_424 = tpu.memref_slice %arg8[%mul3A_2] : memref<16384xf32, #tpu.memory_space<hbm>> -> memref<512xf32, #tpu.memory_space<hbm>>
      tpu.enqueue_dma source(%arg16 : memref<512xf32, #tpu.memory_space<vmem>>) target(%dma_start3A_424 : memref<512xf32, #tpu.memory_space<hbm>>) target_semaphore(%run_scoped3A : memref<!tpu.dma_semaphore, #tpu.memory_space<semaphore_mem>>)
      %dma_wait3A = tpu.memref_slice %arg8[%mul3A_2] : memref<16384xf32, #tpu.memory_space<hbm>> -> memref<512xf32, #tpu.memory_space<hbm>>
      %dma_wait3A_425 = tpu.memref_slice %arg8[%mul3A_2] : memref<16384xf32, #tpu.memory_space<hbm>> -> memref<512xf32, #tpu.memory_space<hbm>>
      tpu.wait_dma2 semaphore(%run_scoped3A : memref<!tpu.dma_semaphore, #tpu.memory_space<semaphore_mem>>) src(%arg16 : memref<512xf32, #tpu.memory_space<vmem>>) dst(%dma_wait3A_425 : memref<512xf32, #tpu.memory_space<hbm>>)
      tpu.yield
    }) : () -> ()
    return
  }
}

</mosaic_0001>

<sc_bundles>
// kernel: kernel.3.cloned.1.call-start
scs
__scs_entry_jumppad:
0x0: {  	(pc) =	sbr.rel $0x88, $3  }
0x1: {  	(tag) =	ssettag $0x0;
	lr =	simm.s32 $0x1  }
0x2: {  	[smem:$0x3F9B] =	sst lr;
	_ =	strace $0xD0000000  }
0x3: {  	_ = 	snop  }
0x4: {  	_ = 	snop  }
0x5: {  	_ = 	snop  }
0x6: {  	_ = 	snop  }
0x7: {  	_ = 	snop  }
__scs_overlays_trampoline_lowered:
0x8: {  	[smem:$0x3FAA] =	sst s0  }
0x9: {  	[smem:$0x3FAB] =	sst s1  }
0xa: {  	[smem:$0x3FAC] =	sst s2  }
0xb: {  	[smem:$0x3FAD] =	sst s3  }
0xc: {  	[smem:$0x3FAE] =	sst s4  }
0xd: {  	[smem:$0x3FAF] =	sst s5  }
0xe: {  	[smem:$0x3FB0] =	sst s6  }
0xf: {  	[smem:$0x3FB1] =	sst s7  }
0x10: {  	[smem:$0x3FB2] =	sst s8  }
0x11: {  	[smem:$0x3FB3] =	sst s9;
	s0 =	simm.s32 @!p0 $0x0  }
0x12: {  	s1 =	sld [smem:$0x3F99];
	s0 =	simm.s32 @p0 $0x1  }
0x13: {  	[smem:$0x3FB4] =	sst s0;
	s0 =	simm.s32 @!p1 $0x0  }
0x14: {  	s2 =	sld [smem:$0x3F98];
	s0 =	simm.s32 @p1 $0x1  }
0x15: {  	[smem:$0x3FB5] =	sst s0;
	s0 =	simm.s32 @!p2 $0x0  }
0x16: {  	s3 =	sld [smem:$0x3FDB];
	s0 =	simm.s32 @p2 $0x1  }
0x17: {  	s4 =	simm.s32 $0x1BF5;
	[smem:$0x3FB7] =	sst s0  }
0x18: {  	s0 =	sld [smem:$0x3F9A];
	_ =	swait.ge [sflag:s4], $0x0  }
0x19: {  	s7 =	sld [smem:$0x3F9B]  }
0x1a: {  	s8 =	sadd.s32 $0xFFFFE003, lr  }
0x1b: {  	s9 =	sadd.s32 $0xFFFFFEF7, lr;
	s5 =	simm.s32 $0xFFFFFFFF;
	p2 =	slt.u32 s8, $0xFFFFF086  }
0x1c: {  	p1 =	slt.u32 s9, $0xF7A;
	s5 =	simm.s32 @!p2 $0x0  }
0x1d: {  	s5 =	simm.s32 @p1 $0x1;
	p0 =	seq.s32 s7, s2  }
0x1e: {  	s7 =	smul.u32 @!p0 $0xF7A, s2;
	p2 =	seq.s32 @!p0 s5, $0x0  }
0x1f: {  	s9 =	smul.u32 $0xF7A, s1;
	s8 =	simm.s32 @!p0 $0x1BF5;
	p2 =	por !p2, p0  }
0x20: {  	[sflag:s8] =	ssyncset.s32 @!p0 $0xFFFFF086;
	s6 =	sadd.s32 @!p0 s3, s7;
	s7 =	simm.s32 @!p0 $0x108  }
0x21: {  	s3 =	sadd.s32 s3, s9;
	s6 =	sadd.s32 @!p0 $0x88, s6;
	s7 =	simm.s32 @p2 $0x1082  }
0x22: {  	[simem:s7], [sflag:s8] =	dma.local @!p0 [hbm:s6], $0xF7A  }
0x23: {  	s9 =	sor.u32 $0xD0000000, s2;
	s6 =	simm.s32 $0x108;
	_ =	swait.ge @!p0 [sflag:s8], $0x0  }
0x24: {  	s3 =	sadd.s32 $0x88, s3;
	s6 =	simm.s32 @!p1 $0x1082;
	[sflag:s4] =	ssyncset.s32 $0xFFFFF086  }
0x25: {  	[simem:s6], [sflag:s4] =	dma.local [hbm:s3], $0xF7A  }
0x26: {  	[smem:$0x3F9B] =	sst s1;
	(tag) =	ssettag s2;
	_ =	strace s9  }
0x27: {  	s1 =	sld [smem:$0x3FAB]  }
0x28: {  	s2 =	sld [smem:$0x3FAC]  }
0x29: {  	s4 =	sld [smem:$0x3FAE]  }
0x2a: {  	p0 =	seq.s32 s5, $0x0;
	s5 =	sld [smem:$0x3FAF]  }
0x2b: {  	s6 =	sld [smem:$0x3FB0]  }
0x2c: {  	s7 =	sld [smem:$0x3FB1]  }
0x2d: {  	s3 =	simm.s32 $0x108;
	s8 =	sld [smem:$0x3FB2]  }
0x2e: {  	s3 =	simm.s32 @!p0 $0x1082;
	s9 =	sld [smem:$0x3FB3]  }
0x2f: {  	lr =	sadd.s32 s0, s3;
	s0 =	sld [smem:$0x3FAA]  }
0x30: {  	s3 =	sld [smem:$0x3FAD]  }
0x31: {  	[smem:$0x3FB6] =	sst s10  }
0x32: {  	s10 =	sld [smem:$0x3FB4];
	_ =	sdelay $0x3  }
0x33: {  	p0 =	seq.s32 s10, $0x1;
	s10 =	sld [smem:$0x3FB6];
	_ =	sdelay $0x3  }
0x34: {  	[smem:$0x3FB6] =	sst s10  }
0x35: {  	s10 =	sld [smem:$0x3FB5];
	_ =	sdelay $0x3  }
0x36: {  	p1 =	seq.s32 s10, $0x1;
	s10 =	sld [smem:$0x3FB6];
	_ =	sdelay $0x3  }
0x37: {  	[smem:$0x3FB6] =	sst s10  }
0x38: {  	s10 =	sld [smem:$0x3FB7]  }
0x39: {  	_ = 	snop;
	(pc) =	sbr.ind lr, $3  }
0x3a: {  	_ = 	snop  }
0x3b: {  	_ = 	snop  }
0x3c: {  	p2 =	seq.s32 s10, $0x1;
	s10 =	sld [smem:$0x3FB6]  }
0x3d: {  	_ =	shalt  }
0x3e: {  	_ =	shalt  }
0x3f: {  	_ =	shalt  }
0x40: {  	_ =	shalt  }
0x41: {  	_ =	shalt  }
0x42: {  	_ =	shalt  }
0x43: {  	_ =	shalt  }
0x44: {  	_ =	shalt  }
0x45: {  	_ =	shalt  }
0x46: {  	_ =	shalt  }
0x47: {  	_ =	shalt  }
0x48: {  	_ =	shalt  }
0x49: {  	_ =	shalt  }
0x4a: {  	_ =	shalt  }
0x4b: {  	_ =	shalt  }
0x4c: {  	_ =	shalt  }
0x4d: {  	_ =	shalt  }
0x4e: {  	_ =	shalt  }
0x4f: {  	_ =	shalt  }
0x50: {  	_ =	shalt  }
0x51: {  	_ =	shalt  }
0x52: {  	_ =	shalt  }
0x53: {  	_ =	shalt  }
0x54: {  	_ =	shalt  }
0x55: {  	_ =	shalt  }
0x56: {  	_ =	shalt  }
0x57: {  	_ =	shalt  }
0x58: {  	_ =	shalt  }
0x59: {  	_ =	shalt  }
0x5a: {  	_ =	shalt  }
0x5b: {  	_ =	shalt  }
0x5c: {  	_ =	shalt  }
0x5d: {  	_ =	shalt  }
0x5e: {  	_ =	shalt  }
0x5f: {  	_ =	shalt  }
0x60: {  	_ =	shalt  }
0x61: {  	_ =	shalt  }
0x62: {  	_ =	shalt  }
0x63: {  	_ =	shalt  }
0x64: {  	_ =	shalt  }
0x65: {  	_ =	shalt  }
0x66: {  	_ =	shalt  }
0x67: {  	_ =	shalt  }
0x68: {  	_ =	shalt  }
0x69: {  	_ =	shalt  }
0x6a: {  	_ =	shalt  }
0x6b: {  	_ =	shalt  }
0x6c: {  	_ =	shalt  }
0x6d: {  	_ =	shalt  }
0x6e: {  	_ =	shalt  }
0x6f: {  	_ =	shalt  }
0x70: {  	_ =	shalt  }
0x71: {  	_ =	shalt  }
0x72: {  	_ =	shalt  }
0x73: {  	_ =	shalt  }
0x74: {  	_ =	shalt  }
0x75: {  	_ =	shalt  }
0x76: {  	_ =	shalt  }
0x77: {  	_ =	shalt  }
0x78: {  	_ =	shalt  }
0x79: {  	_ =	shalt  }
0x7a: {  	_ =	shalt  }
0x7b: {  	_ =	shalt  }
0x7c: {  	_ =	shalt  }
0x7d: {  	_ =	shalt  }
0x7e: {  	_ =	shalt  }
0x7f: {  	_ =	shalt  }
0x80: {  	_ =	shalt  }
0x81: {  	_ =	shalt  }
0x82: {  	_ =	shalt  }
0x83: {  	_ =	shalt  }
0x84: {  	_ =	shalt  }
0x85: {  	_ =	shalt  }
0x86: {  	_ =	shalt  }
0x87: {  	_ =	shalt  }
.Lfunc_end0:
.L_simem_size_0:
called_computation_lowered:
.L_overlay_start_0:
0x88: {  	s2 =	sld [smem:$0x3FD9]  }
0x89: {  	s3 =	sld [smem:$0x3FFE];
	_ =	sdelay $0x1  }
0x8a: {  	s1 =	srdreg.scid  }
0x8b: {  	s0 =	sand.u32 $0x1, s1  }
0x8c: {  	s17 =	sshll.u32 s0, $0xA;
	s2 =	sadd.s32 s3, s2  }
0x8d: {  	s2 =	sadd.s32 s2, s17  }
0x8e: {  	[smem:$0x3FC2] =	sst s2  }
0x8f: {  	_ = 	snop  }
0x90: {  	s2 =	sld [smem:$0x3FC9]  }
0x91: {  	s18 =	sld [smem:$0x3FC8]  }
0x92: {  	s4 =	sld [smem:$0x3FD0];
	(tm) =	ssettm $0x1  }
0x93: {  	s5 =	sld [smem:$0x3FFB];
	_ =	sdelay $0x3  }
0x94: {  	_ =	strace s5  }
0x95: {  	s5 =	sld [smem:$0x3FFC];
	_ =	sdelay $0x3  }
0x96: {  	_ =	strace s5  }
0x97: {  	s5 =	sld [smem:$0x3FFD];
	_ =	sdelay $0x3  }
0x98: {  	_ =	strace s5  }
0x99: {  	_ =	strace $0x8FFFFFFF  }
0x9a: {  	s19 =	sld [smem:$0x3FDB];
	_ =	sdelay $0x1  }
0x9b: {  	s6 =	simm.s32 $_scs_section_size  }
0x9c: {  	s7 =	simm.s32 $_size__tile_overlayer_lowered;
	s8 =	simm.s32 $_tile_overlayer_lowered  }
0x9d: {  	s22 =	simm.s32 $0x1BFF;
	s21 =	sshll.u32 s8, $0x1;
	s5 =	sadd.s32 s6, s19  }
0x9e: {  	s9 =	simm.s32 $0x0;
	s20 =	sshll.u32 s7, $0x1;
	s7 =	sadd.s32 s21, s5  }
0x9f: {  	[timem:s9], [sflag:s22] =	dma.local [hbm:s7], s20  }
0xa0: {  	_ =	swait.ge [sflag:s22], s20  }
0xa1: {  	s6 =	ssub.s32 $0x0, s20;
	[sflag:s22] =	ssyncset.done $0x0  }
0xa2: {  	[sflag:s22] =	ssyncadd.s32 s6;
	_ =	sdelay $0x1  }
0xa3: {  	s23 =	simm.s32 $0x1B8B  }
0xa4: {  	_ =	swait.ge [sflag:s23], $0x1  }
0xa5: {  	[sflag:s23] =	ssyncset.done $0x0  }
0xa6: {  	s25 =	simm.s32 $0x1B8E;
	s24 =	sld [smem:$0x3FFE];
	[sflag:s23] =	ssyncadd.s32 $0xFFFFFFFF  }
0xa7: {  	s26 =	simm.s32 $execute0_lowered;
	[smem:$0x3FD2] =	sst s25  }
0xa8: {  	s7 =	sshll.u32 s26, $0x1;
	_ =	strace $0x80000046;
	[dreg:$0x1] =	wrdreg $0xFFFFFFFF  }
0xa9: {  	s28 =	simm.s32 $_size_execute0_lowered;
	s5 =	sadd.s32 s5, s7;
	[dreg:$0x0] =	wrdreg $0x0  }
0xaa: {  	s7 =	sshll.u32 s28, $0x1;
	[dreg:$0x2] =	wrdreg s5  }
0xab: {  	[dreg:$0x3] =	wrdreg s7  }
0xac: {  	[dreg:$0x4] =	wrdreg $0xC0  }
0xad: {  	_ =	task [dreg:s9], $0x5FFFF  }
0xae: {  	[dreg:$0x1] =	wrdreg $0xFFFFFFFF  }
0xaf: {  	[dreg:$0x0] =	wrdreg $0x60  }
0xb0: {  	[dreg:$0x2] =	wrdreg s2  }
0xb1: {  	[dreg:$0x3] =	wrdreg s18  }
0xb2: {  	[dreg:$0x4] =	wrdreg s24  }
0xb3: {  	[dreg:$0x5] =	wrdreg s4  }
0xb4: {  	[dreg:$0x6] =	wrdreg $0x9  }
0xb5: {  	_ =	task.clear_ibuf [dreg:s9], $0x7FFFF;
	_ =	strace $0x90000046  }
0xb6: {  	s29 =	simm.s32 $0x9;
	_ =	strace $0x80000048  }
0xb7: {  	_ =	swait.ge [sflag:s29], $0x1  }
0xb8: {  	[sflag:s29] =	ssyncadd.s32 $0xFFFFFFFF  }
0xb9: {  	_ =	strace $0x90000048  }
0xba: {  	_ =	sfence  }
0xbb: {  	s30 =	sld [smem:$0x0];
	_ =	sdelay $0x2  }
0xbc: {  	s31 =	sshll.u32 s1, $0xD;
	s1 =	sshrl.u32 s1, $0x2  }
0xbd: {  	s3 =	sand.u32 $0x4000, s31;
	s1 =	sadd.s32 s1, s30  }
0xbe: {  	s0 =	sor.u32 s3, s0;
	s1 =	sshll.u32 s1, $0x11  }
0xbf: {  	s0 =	sor.u32 s1, s0  }
0xc0: {  	s0 =	sadd.s32 $0x8F2B, s0  }
0xc1: {  	[sflag:s0] =	ssyncadd.remote.s32 $0x1  }
0xc2: {  	_ =	sfence.sel $0xFFFF  }
0xc3: {  	[dreg:$0x0] =	wrdreg $0xFFFFFFFF;
	(pc) =	sbr.abs _section_cstart, $3  }
0xc4: {  	[dreg:$0x1] =	wrdreg $0xFFFFFFFF  }
0xc5: {  	_ =	task.clear_ibuf [dreg:s9], $0x2FFFF;
	_ =	strace $0x9FFFFFFF  }
0xc6: {  	(tm) =	ssettm $0x7FFFFFFF  }
0xc7: {  	_ =	shalt  }
tec
execute0_lowered:
.L_overlay_start_1:
0x0: {  	(tag) =	ssettag $0x1  }
0x1: {  	v0 =	vlaneseq.u32  }
0x2: {  	s7 =	rddreg [dreg:$0x0];
	v0 =	vmul.u32 $0x80, v0  }
0x3: {  	s8 =	rddreg [dreg:$0x1]  }
0x4: {  	s6 =	rddreg [dreg:$0x2];
	v1 =	vor.u32 $0x800, v0  }
0x5: {  	s9 =	rddreg [dreg:$0x3];
	s1 =	simm.s32 $0x0;
	s10 =	srdreg.scid;
	v2 =	vor.u32 $0x1000, v0;
	v3 =	vor.u32 $0x1800, v0;
	v4 =	vor.u32 $0x2000, v0  }
0x6: {  	s0 =	stileid.u32;
	s14 =	simm.s32 $0x800;
	s15 =	simm.s32 $0xC00;
	v5 =	vor.u32 $0x2800, v0;
	v6 =	vor.u32 $0x3000, v0;
	v7 =	vor.u32 $0x3800, v0  }
0x7: {  	s16 =	simm.s32 $0x80;
	s17 =	simm.s32 $0x1;
	s18 =	simm.s32 $0x1000;
	v8 =	vor.u32 $0x4000, v0;
	v9 =	vor.u32 $0x4800, v0;
	v10 =	vor.u32 $0x5000, v0  }
0x8: {  	s19 =	simm.s32 $0x11000;
	s20 =	simm.s32 $0x0;
	[smem:$0x7FF] =	sst s1;
	v11 =	vor.u32 $0x5800, v0;
	v12 =	vor.u32 $0x6000, v0;
	v13 =	vor.u32 $0x6800, v0  }
0x9: {  	s2 =	sadd.s32 $0xA00, s6;
	s3 =	sadd.s32 $0x600, s6;
	s10 =	sand.u32 $0x1, s10;
	v14 =	vor.u32 $0x7000, v0;
	v15 =	vor.u32 $0x7800, v0;
	v16 =	vor.u32 $0x8000, v0  }
0xa: {  	s5 =	sadd.s32 $0x800, s6;
	s12 =	sshll.u32 s0, $0x7;
	s11 =	ssub.s32 $0x2, s10;
	v17 =	vor.u32 $0x8800, v0;
	v18 =	vor.u32 $0x9000, v0;
	v19 =	vor.u32 $0x9800, v0  }
0xb: {  	s6 =	sadd.s32 $0xF42E00, s6;
	s10 =	sshll.u32 s10, $0x6;
	s13 =	sshrl.u32 s11, $0x1;
	v20 =	vor.u32 $0xA000, v0;
	v21 =	vor.u32 $0xA800, v0;
	v22 =	vor.u32 $0xB000, v0  }
0xc: {  	_ =	strace $0x80000047;
	s10 =	sor.u32 s10, s12;
	v23 =	vor.u32 $0xB800, v0;
	v24 =	vor.u32 $0xC000, v0;
	v25 =	vor.u32 $0xC800, v0;
	s11 =	ssub.s32 s11, s13  }
0xd: {  	v26 =	vor.u32 $0xD000, v0;
	v27 =	vor.u32 $0xD800, v0;
	v28 =	vor.u32 $0xE000, v0;
	s7 =	sadd.s32 s7, s10;
	s8 =	sadd.s32 s8, s10;
	s9 =	sadd.s32 s9, s10  }
0xe: {  	v29 =	vor.u32 $0xE800, v0;
	v30 =	vor.u32 $0xF000, v0;
	v31 =	vor.u32 $0xF800, v0;
	s13 =	simm.s32 $0x400;
	s10 =	smax.u32 s11, $0x1;
	s11 =	simm.s32 $0x2  }
.LBB2_1:
0xf: {  	[tilespmem:s1], [sflag:$0x2] =	stream.linear.gather [hbm4b:s7+s1], $0x200, $0x38;
	[tilespmem:$0x11200] =	vst v63  }
0x10: {  	_ =	swait.ge [sflag:s11], $0x200  }
0x11: {  	[sflag:s11] =	ssyncset.done $0x0  }
0x12: {  	s0 =	simm.s32 $0x200;
	[sflag:s11] =	ssyncadd.s32 $0xFFFFFE00  }
0x13: {  	[tilespmem:s0], [sflag:$0x2] =	stream.linear.gather [hbm4b:s8+s1], $0x200, $0x38;
	[tilespmem:$0x11200] =	vst v63  }
0x14: {  	_ =	swait.ge [sflag:s11], $0x200  }
0x15: {  	[sflag:s11] =	ssyncset.done $0x0  }
0x16: {  	[sflag:s11] =	ssyncadd.s32 $0xFFFFFE00  }
0x17: {  	[tilespmem:s13], [sflag:$0x2] =	stream.linear.gather [hbm4b:s6+s1], $0x400, $0x38;
	[tilespmem:$0x11200] =	vst v63  }
0x18: {  	_ =	swait.ge [sflag:s11], $0x400  }
0x19: {  	[sflag:s11] =	ssyncset.done $0x0  }
0x1a: {  	[sflag:s11] =	ssyncadd.s32 $0xFFFFFC00  }
0x1b: {  	[tilespmem:s14], [sflag:$0x2] =	stream.linear.gather [hbm4b:s3+s1], $0x400, $0x38;
	[tilespmem:$0x11200] =	vst v63  }
0x1c: {  	_ =	swait.ge [sflag:s11], $0x400  }
0x1d: {  	[sflag:s11] =	ssyncset.done $0x0  }
0x1e: {  	[sflag:s11] =	ssyncadd.s32 $0xFFFFFC00  }
0x1f: {  	[tilespmem:s15], [sflag:$0x2] =	stream.linear.gather [hbm4b:s5+s1], $0x400, $0x38;
	[tilespmem:$0x11200] =	vst v63  }
0x20: {  	_ =	swait.ge [sflag:s11], $0x400  }
0x21: {  	[sflag:s11] =	ssyncset.done $0x0  }
0x22: {  	[sflag:s11] =	ssyncadd.s32 $0xFFFFFC00  }
0x23: {  	v32 =	vld [tilespmem:s1+$0x0];
	_ =	sdelay $0x4  }
0x24: {  	v32 =	vshll.u32 v32, $0x4  }
0x25: {  	(v2sf) =	vpush v32, $0x0;
	_ =	sdelay $0x1  }
0x26: {  	(v2sf) =	vpush v32, $0x1;
	_ =	sdelay $0x3  }
0x27: {  	(v2sf) =	vpush v32, $0x2;
	_ =	sdelay $0x3  }
0x28: {  	(v2sf) =	vpush v32, $0x3;
	_ =	sdelay $0x3  }
0x29: {  	(v2sf) =	vpush v32, $0x4  }
0x2a: {  	s21 =	spop (v2sf)  }
0x2b: {  	s21 =	sand.u32 $0x1FFFFFF0, s21  }
0x2c: {  	s23 =	simm.s32 $0x1000;
	s22 =	spop (v2sf);
	s21 =	sadd.s32 s2, s21  }
0x2d: {  	(v2sf) =	vpush v32, $0x5;
	[tilespmem:s23], [sflag:$0x1] =	stream.strided.gather [hbm4b:s21+s16], $0x0, s13, s16, $0x38;
	[tilespmem:$0x11200] =	vst v63  }
0x2e: {  	s22 =	sand.u32 $0x1FFFFFF0, s22  }
0x2f: {  	[tilespmem:s23], [sflag:$0x1] =	stream.linear.gather [hbm4b:s21+s1], $0xF, $0x38;
	[tilespmem:$0x11200] =	vst v63  }
0x30: {  	s24 =	simm.s32 $0x1080;
	s25 =	spop (v2sf);
	s22 =	sadd.s32 s2, s22  }
0x31: {  	(v2sf) =	vpush v32, $0x6;
	[tilespmem:s24], [sflag:$0x1] =	stream.strided.gather [hbm4b:s22+s16], $0x0, s13, s16, $0x38;
	[tilespmem:$0x11200] =	vst v63  }
0x32: {  	s23 =	sand.u32 $0x1FFFFFF0, s25  }
0x33: {  	[tilespmem:s24], [sflag:$0x1] =	stream.linear.gather [hbm4b:s22+s1], $0xF, $0x38;
	[tilespmem:$0x11200] =	vst v63  }
0x34: {  	s28 =	simm.s32 $0x1100;
	s26 =	spop (v2sf);
	s23 =	sadd.s32 s2, s23  }
0x35: {  	(v2sf) =	vpush v32, $0x7;
	[tilespmem:s28], [sflag:$0x1] =	stream.strided.gather [hbm4b:s23+s16], $0x0, s13, s16, $0x38;
	[tilespmem:$0x11200] =	vst v63  }
0x36: {  	s21 =	sand.u32 $0x1FFFFFF0, s26  }
0x37: {  	[tilespmem:s28], [sflag:$0x1] =	stream.linear.gather [hbm4b:s23+s1], $0xF, $0x38;
	[tilespmem:$0x11200] =	vst v63  }
0x38: {  	s30 =	simm.s32 $0x1180;
	s29 =	spop (v2sf);
	s21 =	sadd.s32 s2, s21  }
0x39: {  	(v2sf) =	vpush v32, $0x8;
	[tilespmem:s30], [sflag:$0x1] =	stream.strided.gather [hbm4b:s21+s16], $0x0, s13, s16, $0x38;
	[tilespmem:$0x11200] =	vst v63  }
0x3a: {  	s22 =	sand.u32 $0x1FFFFFF0, s29  }
0x3b: {  	[tilespmem:s30], [sflag:$0x1] =	stream.linear.gather [hbm4b:s21+s1], $0xF, $0x38;
	[tilespmem:$0x11200] =	vst v63  }
0x3c: {  	s0 =	simm.s32 $0x1200;
	s22 =	sadd.s32 s2, s22;
	s31 =	spop (v2sf)  }
0x3d: {  	(v2sf) =	vpush v32, $0x9;
	[tilespmem:s0], [sflag:$0x1] =	stream.strided.gather [hbm4b:s22+s16], $0x0, s13, s16, $0x38;
	[tilespmem:$0x11200] =	vst v63  }
0x3e: {  	s21 =	sand.u32 $0x1FFFFFF0, s31  }
0x3f: {  	[tilespmem:s0], [sflag:$0x1] =	stream.linear.gather [hbm4b:s22+s1], $0xF, $0x38;
	[tilespmem:$0x11200] =	vst v63  }
0x40: {  	s12 =	simm.s32 $0x1280;
	s4 =	spop (v2sf);
	s21 =	sadd.s32 s2, s21  }
0x41: {  	(v2sf) =	vpush v32, $0xA;
	[tilespmem:s12], [sflag:$0x1] =	stream.strided.gather [hbm4b:s21+s16], $0x0, s13, s16, $0x38;
	[tilespmem:$0x11200] =	vst v63  }
0x42: {  	s22 =	sand.u32 $0x1FFFFFF0, s4  }
0x43: {  	[tilespmem:s12], [sflag:$0x1] =	stream.linear.gather [hbm4b:s21+s1], $0xF, $0x38;
	[tilespmem:$0x11200] =	vst v63  }
0x44: {  	s25 =	simm.s32 $0x1300;
	s24 =	spop (v2sf);
	s22 =	sadd.s32 s2, s22  }
0x45: {  	(v2sf) =	vpush v32, $0xB;
	[tilespmem:s25], [sflag:$0x1] =	stream.strided.gather [hbm4b:s22+s16], $0x0, s13, s16, $0x38;
	[tilespmem:$0x11200] =	vst v63  }
0x46: {  	s21 =	sand.u32 $0x1FFFFFF0, s24  }
0x47: {  	[tilespmem:s25], [sflag:$0x1] =	stream.linear.gather [hbm4b:s22+s1], $0xF, $0x38;
	[tilespmem:$0x11200] =	vst v63  }
0x48: {  	s28 =	simm.s32 $0x1380;
	s26 =	spop (v2sf);
	s21 =	sadd.s32 s2, s21  }
0x49: {  	(v2sf) =	vpush v32, $0xC;
	[tilespmem:s28], [sflag:$0x1] =	stream.strided.gather [hbm4b:s21+s16], $0x0, s13, s16, $0x38;
	[tilespmem:$0x11200] =	vst v63  }
0x4a: {  	s22 =	sand.u32 $0x1FFFFFF0, s26  }
0x4b: {  	[tilespmem:s28], [sflag:$0x1] =	stream.linear.gather [hbm4b:s21+s1], $0xF, $0x38;
	[tilespmem:$0x11200] =	vst v63  }
0x4c: {  	s30 =	simm.s32 $0x1400;
	s29 =	spop (v2sf);
	s22 =	sadd.s32 s2, s22  }
0x4d: {  	(v2sf) =	vpush v32, $0xD;
	[tilespmem:s30], [sflag:$0x1] =	stream.strided.gather [hbm4b:s22+s16], $0x0, s13, s16, $0x38;
	[tilespmem:$0x11200] =	vst v63  }
0x4e: {  	s21 =	sand.u32 $0x1FFFFFF0, s29  }
0x4f: {  	[tilespmem:s30], [sflag:$0x1] =	stream.linear.gather [hbm4b:s22+s1], $0xF, $0x38;
	[tilespmem:$0x11200] =	vst v63  }
0x50: {  	s0 =	simm.s32 $0x1480;
	s31 =	spop (v2sf);
	s21 =	sadd.s32 s2, s21  }
0x51: {  	(v2sf) =	vpush v32, $0xE;
	[tilespmem:s0], [sflag:$0x1] =	stream.strided.gather [hbm4b:s21+s16], $0x0, s13, s16, $0x38;
	[tilespmem:$0x11200] =	vst v63  }
0x52: {  	s22 =	sand.u32 $0x1FFFFFF0, s31  }
0x53: {  	[tilespmem:s0], [sflag:$0x1] =	stream.linear.gather [hbm4b:s21+s1], $0xF, $0x38;
	[tilespmem:$0x11200] =	vst v63  }
0x54: {  	s12 =	simm.s32 $0x1500;
	s4 =	spop (v2sf);
	s22 =	sadd.s32 s2, s22  }
0x55: {  	(v2sf) =	vpush v32, $0xF;
	[tilespmem:s12], [sflag:$0x1] =	stream.strided.gather [hbm4b:s22+s16], $0x0, s13, s16, $0x38;
	[tilespmem:$0x11200] =	vst v63  }
0x56: {  	s21 =	sand.u32 $0x1FFFFFF0, s4  }
0x57: {  	[tilespmem:s12], [sflag:$0x1] =	stream.linear.gather [hbm4b:s22+s1], $0xF, $0x38;
	[tilespmem:$0x11200] =	vst v63  }
0x58: {  	s24 =	simm.s32 $0x1580;
	s23 =	spop (v2sf);
	s21 =	sadd.s32 s2, s21  }
0x59: {  	[tilespmem:s24], [sflag:$0x1] =	stream.strided.gather [hbm4b:s21+s16], $0x0, s13, s16, $0x38;
	[tilespmem:$0x11200] =	vst v63  }
0x5a: {  	s22 =	sand.u32 $0x1FFFFFF0, s23  }
0x5b: {  	[tilespmem:s24], [sflag:$0x1] =	stream.linear.gather [hbm4b:s21+s1], $0xF, $0x38;
	[tilespmem:$0x11200] =	vst v63  }
0x5c: {  	s26 =	simm.s32 $0x1600;
	s25 =	spop (v2sf);
	s22 =	sadd.s32 s2, s22  }
0x5d: {  	[tilespmem:s26], [sflag:$0x1] =	stream.strided.gather [hbm4b:s22+s16], $0x0, s13, s16, $0x38;
	[tilespmem:$0x11200] =	vst v63  }
0x5e: {  	s21 =	sand.u32 $0x1FFFFFF0, s25  }
0x5f: {  	[tilespmem:s26], [sflag:$0x1] =	stream.linear.gather [hbm4b:s22+s1], $0xF, $0x38;
	[tilespmem:$0x11200] =	vst v63  }
0x60: {  	s29 =	simm.s32 $0x1680;
	s28 =	spop (v2sf);
	s21 =	sadd.s32 s2, s21  }
0x61: {  	[tilespmem:s29], [sflag:$0x1] =	stream.strided.gather [hbm4b:s21+s16], $0x0, s13, s16, $0x38;
	[tilespmem:$0x11200] =	vst v63  }
0x62: {  	s22 =	sand.u32 $0x1FFFFFF0, s28  }
0x63: {  	[tilespmem:s29], [sflag:$0x1] =	stream.linear.gather [hbm4b:s21+s1], $0xF, $0x38;
	[tilespmem:$0x11200] =	vst v63  }
0x64: {  	s31 =	simm.s32 $0x1700;
	s30 =	spop (v2sf);
	s22 =	sadd.s32 s2, s22  }
0x65: {  	[tilespmem:s31], [sflag:$0x1] =	stream.strided.gather [hbm4b:s22+s16], $0x0, s13, s16, $0x38;
	[tilespmem:$0x11200] =	vst v63  }
0x66: {  	s23 =	simm.s32 $0x1780;
	s21 =	sand.u32 $0x1FFFFFF0, s30  }
0x67: {  	[tilespmem:s31], [sflag:$0x1] =	stream.linear.gather [hbm4b:s22+s1], $0xF, $0x38;
	[tilespmem:$0x11200] =	vst v63  }
0x68: {  	s24 =	sadd.s32 s2, s21;
	s21 =	simm.s32 $0x2000;
	s22 =	simm.s32 $0x0  }
0x69: {  	[tilespmem:s23], [sflag:$0x1] =	stream.strided.gather [hbm4b:s24+s16], $0x0, s13, s16, $0x38;
	[tilespmem:$0x11200] =	vst v63  }
.LBB2_2:
0x6a: {  	p0 =	sne.s32 s21, $0x3E000  }
0x6b: {  	s22 =	sadd.s32 $0x10, s22;
	s25 =	smov.u32 s21;
	s21 =	sadd.s32 $0x2000, s21  }
0x6c: {  	[tilespmem:s23], [sflag:$0x1] =	stream.linear.gather [hbm4b:s24+s1], $0xF, $0x38;
	[tilespmem:$0x11200] =	vst v63  }
0x6d: {  	v32 =	vld [tilespmem:s22+$0x0];
	_ =	sdelay $0x4  }
0x6e: {  	v32 =	vshll.u32 v32, $0x4  }
0x6f: {  	(v2sf) =	vpush v32, $0x0  }
0x70: {  	(v2sf) =	vpush v32, $0x1  }
0x71: {  	(v2sf) =	vpush v32, $0x2;
	_ =	sdelay $0x2  }
0x72: {  	(v2sf) =	vpush v32, $0x3;
	_ =	sdelay $0x1  }
0x73: {  	(v2sf) =	vpush v32, $0x4;
	_ =	sdelay $0x1  }
0x74: {  	(v2sf) =	vpush v32, $0x5;
	_ =	sdelay $0x1  }
0x75: {  	(v2sf) =	vpush v32, $0x6;
	_ =	sdelay $0x1  }
0x76: {  	(v2sf) =	vpush v32, $0x7;
	_ =	sdelay $0x1  }
0x77: {  	s24 =	spop (v2sf);
	(v2sf) =	vpush v32, $0x8  }
0x78: {  	s23 =	sshra.s32 s25, $0x2;
	s24 =	sand.u32 $0x1FFFFFF0, s24;
	s25 =	spop (v2sf)  }
0x79: {  	s26 =	sadd.s32 $0x1080, s23;
	s24 =	sadd.s32 s2, s24;
	s28 =	spop (v2sf);
	(v2sf) =	vpush v32, $0x9  }
0x7a: {  	s29 =	sadd.s32 $0x1000, s23;
	s25 =	sand.u32 $0x1FFFFFF0, s25;
	s28 =	sand.u32 $0x1FFFFFF0, s28  }
0x7b: {  	[tilespmem:s29], [sflag:$0x1] =	stream.strided.gather [hbm4b:s24+s16], $0x0, s13, s16, $0x38;
	(v2sf) =	vpush v32, $0xA;
	[tilespmem:$0x11200] =	vst v63  }
0x7c: {  	s30 =	spop (v2sf)  }
0x7d: {  	[tilespmem:s29], [sflag:$0x1] =	stream.linear.gather [hbm4b:s24+s1], $0xF, $0x38;
	(v2sf) =	vpush v32, $0xB;
	[tilespmem:$0x11200] =	vst v63  }
0x7e: {  	s24 =	sadd.s32 s2, s25;
	s25 =	sand.u32 $0x1FFFFFF0, s30;
	s29 =	spop (v2sf)  }
0x7f: {  	[tilespmem:s26], [sflag:$0x1] =	stream.strided.gather [hbm4b:s24+s16], $0x0, s13, s16, $0x38;
	(v2sf) =	vpush v32, $0xC;
	[tilespmem:$0x11200] =	vst v63  }
0x80: {  	s30 =	sadd.s32 $0x1100, s23;
	s29 =	sand.u32 $0x1FFFFFF0, s29;
	s31 =	spop (v2sf)  }
0x81: {  	[tilespmem:s26], [sflag:$0x1] =	stream.linear.gather [hbm4b:s24+s1], $0xF, $0x38;
	[tilespmem:$0x11200] =	vst v63  }
0x82: {  	s24 =	sadd.s32 s2, s28;
	s26 =	sand.u32 $0x1FFFFFF0, s31;
	s28 =	spop (v2sf)  }
0x83: {  	[tilespmem:s30], [sflag:$0x1] =	stream.strided.gather [hbm4b:s24+s16], $0x0, s13, s16, $0x38;
	(v2sf) =	vpush v32, $0xD;
	[tilespmem:$0x11200] =	vst v63  }
0x84: {  	s31 =	sadd.s32 $0x1180, s23;
	s28 =	sand.u32 $0x1FFFFFF0, s28;
	s0 =	spop (v2sf)  }
0x85: {  	[tilespmem:s30], [sflag:$0x1] =	stream.linear.gather [hbm4b:s24+s1], $0xF, $0x38;
	[tilespmem:$0x11200] =	vst v63  }
0x86: {  	s24 =	sadd.s32 s2, s25;
	s0 =	sand.u32 $0x1FFFFFF0, s0;
	s25 =	spop (v2sf)  }
0x87: {  	[tilespmem:s31], [sflag:$0x1] =	stream.strided.gather [hbm4b:s24+s16], $0x0, s13, s16, $0x38;
	(v2sf) =	vpush v32, $0xE;
	[tilespmem:$0x11200] =	vst v63  }
0x88: {  	s30 =	sadd.s32 $0x1200, s23;
	s25 =	sand.u32 $0x1FFFFFF0, s25;
	s4 =	spop (v2sf)  }
0x89: {  	[tilespmem:s31], [sflag:$0x1] =	stream.linear.gather [hbm4b:s24+s1], $0xF, $0x38;
	[tilespmem:$0x11200] =	vst v63  }
0x8a: {  	s24 =	sadd.s32 s2, s29;
	s4 =	sand.u32 $0x1FFFFFF0, s4;
	s29 =	spop (v2sf)  }
0x8b: {  	[tilespmem:s30], [sflag:$0x1] =	stream.strided.gather [hbm4b:s24+s16], $0x0, s13, s16, $0x38;
	(v2sf) =	vpush v32, $0xF;
	[tilespmem:$0x11200] =	vst v63  }
0x8c: {  	s31 =	sadd.s32 $0x1280, s23;
	s29 =	sand.u32 $0x1FFFFFF0, s29;
	s12 =	spop (v2sf)  }
0x8d: {  	[tilespmem:s30], [sflag:$0x1] =	stream.linear.gather [hbm4b:s24+s1], $0xF, $0x38;
	[tilespmem:$0x11200] =	vst v63  }
0x8e: {  	s24 =	sadd.s32 s2, s26;
	s12 =	sand.u32 $0x1FFFFFF0, s12;
	s26 =	spop (v2sf)  }
0x8f: {  	[tilespmem:s31], [sflag:$0x1] =	stream.strided.gather [hbm4b:s24+s16], $0x0, s13, s16, $0x38;
	[tilespmem:$0x11200] =	vst v63  }
0x90: {  	s28 =	sadd.s32 s2, s28;
	s30 =	sadd.s32 $0x1300, s23;
	s26 =	sand.u32 $0x1FFFFFF0, s26  }
0x91: {  	[tilespmem:s31], [sflag:$0x1] =	stream.linear.gather [hbm4b:s24+s1], $0xF, $0x38;
	[tilespmem:$0x11200] =	vst v63  }
0x92: {  	s24 =	spop (v2sf)  }
0x93: {  	[tilespmem:s30], [sflag:$0x1] =	stream.strided.gather [hbm4b:s28+s16], $0x0, s13, s16, $0x38;
	[tilespmem:$0x11200] =	vst v63  }
0x94: {  	s0 =	sadd.s32 s2, s0;
	s31 =	sadd.s32 $0x1380, s23;
	s24 =	sand.u32 $0x1FFFFFF0, s24  }
0x95: {  	[tilespmem:s30], [sflag:$0x1] =	stream.linear.gather [hbm4b:s28+s1], $0xF, $0x38;
	[tilespmem:$0x11200] =	vst v63  }
0x96: {  	s28 =	spop (v2sf)  }
0x97: {  	[tilespmem:s31], [sflag:$0x1] =	stream.strided.gather [hbm4b:s0+s16], $0x0, s13, s16, $0x38;
	[tilespmem:$0x11200] =	vst v63  }
0x98: {  	s25 =	sadd.s32 s2, s25;
	s30 =	sadd.s32 $0x1400, s23;
	s28 =	sand.u32 $0x1FFFFFF0, s28  }
0x99: {  	[tilespmem:s31], [sflag:$0x1] =	stream.linear.gather [hbm4b:s0+s1], $0xF, $0x38;
	[tilespmem:$0x11200] =	vst v63  }
0x9a: {  	s0 =	spop (v2sf)  }
0x9b: {  	[tilespmem:s30], [sflag:$0x1] =	stream.strided.gather [hbm4b:s25+s16], $0x0, s13, s16, $0x38;
	[tilespmem:$0x11200] =	vst v63  }
0x9c: {  	s4 =	sadd.s32 s2, s4;
	s31 =	sadd.s32 $0x1480, s23;
	s0 =	sand.u32 $0x1FFFFFF0, s0  }
0x9d: {  	[tilespmem:s30], [sflag:$0x1] =	stream.linear.gather [hbm4b:s25+s1], $0xF, $0x38;
	[tilespmem:$0x11200] =	vst v63  }
0x9e: {  	_ = 	snop  }
0x9f: {  	[tilespmem:s31], [sflag:$0x1] =	stream.strided.gather [hbm4b:s4+s16], $0x0, s13, s16, $0x38;
	[tilespmem:$0x11200] =	vst v63  }
0xa0: {  	s29 =	sadd.s32 s2, s29;
	s25 =	sadd.s32 $0x1500, s23  }
0xa1: {  	[tilespmem:s31], [sflag:$0x1] =	stream.linear.gather [hbm4b:s4+s1], $0xF, $0x38;
	[tilespmem:$0x11200] =	vst v63  }
0xa2: {  	_ = 	snop  }
0xa3: {  	[tilespmem:s25], [sflag:$0x1] =	stream.strided.gather [hbm4b:s29+s16], $0x0, s13, s16, $0x38;
	[tilespmem:$0x11200] =	vst v63  }
0xa4: {  	s12 =	sadd.s32 s2, s12;
	s4 =	sadd.s32 $0x1580, s23  }
0xa5: {  	[tilespmem:s25], [sflag:$0x1] =	stream.linear.gather [hbm4b:s29+s1], $0xF, $0x38;
	[tilespmem:$0x11200] =	vst v63  }
0xa6: {  	_ = 	snop  }
0xa7: {  	[tilespmem:s4], [sflag:$0x1] =	stream.strided.gather [hbm4b:s12+s16], $0x0, s13, s16, $0x38;
	[tilespmem:$0x11200] =	vst v63  }
0xa8: {  	s26 =	sadd.s32 s2, s26;
	s25 =	sadd.s32 $0x1600, s23  }
0xa9: {  	[tilespmem:s4], [sflag:$0x1] =	stream.linear.gather [hbm4b:s12+s1], $0xF, $0x38;
	[tilespmem:$0x11200] =	vst v63  }
0xaa: {  	_ = 	snop  }
0xab: {  	[tilespmem:s25], [sflag:$0x1] =	stream.strided.gather [hbm4b:s26+s16], $0x0, s13, s16, $0x38;
	[tilespmem:$0x11200] =	vst v63  }
0xac: {  	s4 =	sadd.s32 $0x1680, s23;
	s12 =	sadd.s32 s2, s24  }
0xad: {  	[tilespmem:s25], [sflag:$0x1] =	stream.linear.gather [hbm4b:s26+s1], $0xF, $0x38;
	[tilespmem:$0x11200] =	vst v63  }
0xae: {  	_ = 	snop  }
0xaf: {  	[tilespmem:s4], [sflag:$0x1] =	stream.strided.gather [hbm4b:s12+s16], $0x0, s13, s16, $0x38;
	[tilespmem:$0x11200] =	vst v63  }
0xb0: {  	s25 =	sadd.s32 $0x1700, s23;
	s26 =	sadd.s32 s2, s28  }
0xb1: {  	[tilespmem:s4], [sflag:$0x1] =	stream.linear.gather [hbm4b:s12+s1], $0xF, $0x38;
	[tilespmem:$0x11200] =	vst v63  }
0xb2: {  	_ = 	snop  }
0xb3: {  	[tilespmem:s25], [sflag:$0x1] =	stream.strided.gather [hbm4b:s26+s16], $0x0, s13, s16, $0x38;
	[tilespmem:$0x11200] =	vst v63  }
.Ltmp0:
0xb4: {  	_ = 	snop;
	(pc) =	sbr.rel @p0 .LBB2_2-.Ltmp0, $4  }
0xb5: {  	s24 =	sadd.s32 s2, s0;
	s23 =	sadd.s32 $0x1780, s23  }
0xb6: {  	[tilespmem:s25], [sflag:$0x1] =	stream.linear.gather [hbm4b:s26+s1], $0xF, $0x38;
	[tilespmem:$0x11200] =	vst v63  }
0xb7: {  	_ = 	snop  }
0xb8: {  	[tilespmem:s23], [sflag:$0x1] =	stream.strided.gather [hbm4b:s24+s16], $0x0, s13, s16, $0x38;
	[tilespmem:$0x11200] =	vst v63  }
0xb9: {  	[tilespmem:s23], [sflag:$0x1] =	stream.linear.gather [hbm4b:s24+s1], $0xF, $0x38;
	[tilespmem:$0x11200] =	vst v63  }
0xba: {  	_ =	swait.ge [sflag:s17], $0xF  }
0xbb: {  	s21 =	simm.s32 $0x1FF;
	[sflag:s17] =	ssyncset.done $0x0  }
.LBB2_4:
0xbc: {  	p0 =	sne.s32 s21, $0x1;
	s21 =	sadd.s32 $0xFFFFFFFF, s21;
	[sflag:s17] =	ssyncadd.s32 $0xFFFFFFF1  }
.Ltmp1:
0xbd: {  	(pc) =	sbr.rel @p0 .LBB2_4-.Ltmp1, $3  }
0xbe: {  	_ =	sdelay $0x1  }
0xbf: {  	_ =	swait.ge [sflag:s17], $0xF  }
0xc0: {  	[sflag:s17] =	ssyncset.done $0x0  }
0xc1: {  	[sflag:s17] =	ssyncadd.s32 $0xFFFFFFF1  }
0xc2: {  	v32 =	vld [tilespmem:$0x200];
	_ =	sdelay $0x7  }
0xc3: {  	v33 =	vld.idx.msk [tilespmem:v32+s13+$0x0], $0xffff;
	_ =	sdelay $0x4  }
0xc4: {  	v33 =	vadd.s32 v0, v33;
	_ =	sdelay $0x3  }
0xc5: {  	v34 =	vld.idx.msk [tilespmem:v32+s15+$0x0], $0xffff  }
0xc6: {  	v33 =	vld.idx.msk [tilespmem:v33+s18+$0x0], $0xffff  }
0xc7: {  	v35 =	vld [tilespmem:$0x210]  }
0xc8: {  	v32 =	vld.idx.msk [tilespmem:v32+s14+$0x0], $0xffff;
	_ =	sdelay $0x2  }
0xc9: {  	v33 =	vsub.f32 v33, v34;
	_ =	sdelay $0x1  }
0xca: {  	v32 =	vmul.f32 v33, v32;
	_ =	sdelay $0x1  }
0xcb: {  	[tilespmem:$0x11000] =	vst v32  }
0xcc: {  	v32 =	vld.idx.msk [tilespmem:v35+s13+$0x0], $0xffff;
	_ =	sdelay $0x4  }
0xcd: {  	v32 =	vadd.s32 v1, v32;
	_ =	sdelay $0x3  }
0xce: {  	v56 =	vld.idx.msk [tilespmem:v35+s15+$0x0], $0xffff  }
0xcf: {  	v32 =	vld.idx.msk [tilespmem:v32+s18+$0x0], $0xffff  }
0xd0: {  	v58 =	vld [tilespmem:$0x220]  }
0xd1: {  	v57 =	vld.idx.msk [tilespmem:v35+s14+$0x0], $0xffff;
	_ =	sdelay $0x2  }
0xd2: {  	v32 =	vsub.f32 v32, v56;
	_ =	sdelay $0x1  }
0xd3: {  	v32 =	vmul.f32 v32, v57;
	_ =	sdelay $0x1  }
0xd4: {  	[tilespmem:$0x11010] =	vst v32  }
0xd5: {  	v32 =	vld.idx.msk [tilespmem:v58+s13+$0x0], $0xffff;
	_ =	sdelay $0x4  }
0xd6: {  	v32 =	vadd.s32 v2, v32;
	_ =	sdelay $0x3  }
0xd7: {  	v59 =	vld.idx.msk [tilespmem:v58+s15+$0x0], $0xffff  }
0xd8: {  	v32 =	vld.idx.msk [tilespmem:v32+s18+$0x0], $0xffff  }
0xd9: {  	v61 =	vld [tilespmem:$0x230]  }
0xda: {  	v60 =	vld.idx.msk [tilespmem:v58+s14+$0x0], $0xffff;
	_ =	sdelay $0x2  }
0xdb: {  	v32 =	vsub.f32 v32, v59;
	_ =	sdelay $0x1  }
0xdc: {  	v32 =	vmul.f32 v32, v60;
	_ =	sdelay $0x1  }
0xdd: {  	[tilespmem:$0x11020] =	vst v32  }
0xde: {  	v32 =	vld.idx.msk [tilespmem:v61+s13+$0x0], $0xffff;
	_ =	sdelay $0x4  }
0xdf: {  	v32 =	vadd.s32 v3, v32;
	_ =	sdelay $0x3  }
0xe0: {  	v62 =	vld.idx.msk [tilespmem:v61+s15+$0x0], $0xffff  }
0xe1: {  	v32 =	vld.idx.msk [tilespmem:v32+s18+$0x0], $0xffff  }
0xe2: {  	v36 =	vld [tilespmem:$0x240]  }
0xe3: {  	v63 =	vld.idx.msk [tilespmem:v61+s14+$0x0], $0xffff;
	_ =	sdelay $0x2  }
0xe4: {  	v32 =	vsub.f32 v32, v62;
	_ =	sdelay $0x1  }
0xe5: {  	v32 =	vmul.f32 v32, v63;
	_ =	sdelay $0x1  }
0xe6: {  	[tilespmem:$0x11030] =	vst v32  }
0xe7: {  	v32 =	vld.idx.msk [tilespmem:v36+s13+$0x0], $0xffff;
	_ =	sdelay $0x4  }
0xe8: {  	v32 =	vadd.s32 v4, v32;
	_ =	sdelay $0x3  }
0xe9: {  	v37 =	vld.idx.msk [tilespmem:v36+s15+$0x0], $0xffff  }
0xea: {  	v32 =	vld.idx.msk [tilespmem:v32+s18+$0x0], $0xffff  }
0xeb: {  	v39 =	vld [tilespmem:$0x250]  }
0xec: {  	v38 =	vld.idx.msk [tilespmem:v36+s14+$0x0], $0xffff;
	_ =	sdelay $0x2  }
0xed: {  	v32 =	vsub.f32 v32, v37;
	_ =	sdelay $0x1  }
0xee: {  	v32 =	vmul.f32 v32, v38;
	_ =	sdelay $0x1  }
0xef: {  	[tilespmem:$0x11040] =	vst v32  }
0xf0: {  	v32 =	vld.idx.msk [tilespmem:v39+s13+$0x0], $0xffff;
	_ =	sdelay $0x4  }
0xf1: {  	v32 =	vadd.s32 v5, v32;
	_ =	sdelay $0x3  }
0xf2: {  	v40 =	vld.idx.msk [tilespmem:v39+s15+$0x0], $0xffff  }
0xf3: {  	v32 =	vld.idx.msk [tilespmem:v32+s18+$0x0], $0xffff  }
0xf4: {  	v42 =	vld [tilespmem:$0x260]  }
0xf5: {  	v41 =	vld.idx.msk [tilespmem:v39+s14+$0x0], $0xffff;
	_ =	sdelay $0x2  }
0xf6: {  	v32 =	vsub.f32 v32, v40;
	_ =	sdelay $0x1  }
0xf7: {  	v32 =	vmul.f32 v32, v41;
	_ =	sdelay $0x1  }
0xf8: {  	[tilespmem:$0x11050] =	vst v32  }
0xf9: {  	v32 =	vld.idx.msk [tilespmem:v42+s13+$0x0], $0xffff;
	_ =	sdelay $0x4  }
0xfa: {  	v32 =	vadd.s32 v6, v32;
	_ =	sdelay $0x3  }
0xfb: {  	v43 =	vld.idx.msk [tilespmem:v42+s15+$0x0], $0xffff  }
0xfc: {  	v32 =	vld.idx.msk [tilespmem:v32+s18+$0x0], $0xffff  }
0xfd: {  	v45 =	vld [tilespmem:$0x270]  }
0xfe: {  	v44 =	vld.idx.msk [tilespmem:v42+s14+$0x0], $0xffff;
	_ =	sdelay $0x2  }
0xff: {  	v32 =	vsub.f32 v32, v43;
	_ =	sdelay $0x1  }
0x100: {  	v32 =	vmul.f32 v32, v44;
	_ =	sdelay $0x1  }
0x101: {  	[tilespmem:$0x11060] =	vst v32  }
0x102: {  	v32 =	vld.idx.msk [tilespmem:v45+s13+$0x0], $0xffff;
	_ =	sdelay $0x4  }
0x103: {  	v32 =	vadd.s32 v7, v32;
	_ =	sdelay $0x3  }
0x104: {  	v46 =	vld.idx.msk [tilespmem:v45+s15+$0x0], $0xffff  }
0x105: {  	v32 =	vld.idx.msk [tilespmem:v32+s18+$0x0], $0xffff  }
0x106: {  	v48 =	vld [tilespmem:$0x280]  }
0x107: {  	v47 =	vld.idx.msk [tilespmem:v45+s14+$0x0], $0xffff;
	_ =	sdelay $0x2  }
0x108: {  	v32 =	vsub.f32 v32, v46;
	_ =	sdelay $0x1  }
0x109: {  	v32 =	vmul.f32 v32, v47;
	_ =	sdelay $0x1  }
0x10a: {  	[tilespmem:$0x11070] =	vst v32  }
0x10b: {  	v32 =	vld.idx.msk [tilespmem:v48+s13+$0x0], $0xffff;
	_ =	sdelay $0x4  }
0x10c: {  	v32 =	vadd.s32 v8, v32;
	_ =	sdelay $0x3  }
0x10d: {  	v49 =	vld.idx.msk [tilespmem:v48+s15+$0x0], $0xffff  }
0x10e: {  	v32 =	vld.idx.msk [tilespmem:v32+s18+$0x0], $0xffff  }
0x10f: {  	v51 =	vld [tilespmem:$0x290]  }
0x110: {  	v50 =	vld.idx.msk [tilespmem:v48+s14+$0x0], $0xffff;
	_ =	sdelay $0x2  }
0x111: {  	v32 =	vsub.f32 v32, v49;
	_ =	sdelay $0x1  }
0x112: {  	v32 =	vmul.f32 v32, v50;
	_ =	sdelay $0x1  }
0x113: {  	[tilespmem:$0x11080] =	vst v32  }
0x114: {  	v32 =	vld.idx.msk [tilespmem:v51+s13+$0x0], $0xffff;
	_ =	sdelay $0x4  }
0x115: {  	v32 =	vadd.s32 v9, v32;
	_ =	sdelay $0x3  }
0x116: {  	v52 =	vld.idx.msk [tilespmem:v51+s15+$0x0], $0xffff  }
0x117: {  	v32 =	vld.idx.msk [tilespmem:v32+s18+$0x0], $0xffff  }
0x118: {  	v54 =	vld [tilespmem:$0x2A0]  }
0x119: {  	v53 =	vld.idx.msk [tilespmem:v51+s14+$0x0], $0xffff;
	_ =	sdelay $0x2  }
0x11a: {  	v32 =	vsub.f32 v32, v52;
	_ =	sdelay $0x1  }
0x11b: {  	v32 =	vmul.f32 v32, v53;
	_ =	sdelay $0x1  }
0x11c: {  	[tilespmem:$0x11090] =	vst v32  }
0x11d: {  	v32 =	vld.idx.msk [tilespmem:v54+s13+$0x0], $0xffff;
	_ =	sdelay $0x4  }
0x11e: {  	v32 =	vadd.s32 v10, v32;
	_ =	sdelay $0x3  }
0x11f: {  	v55 =	vld.idx.msk [tilespmem:v54+s15+$0x0], $0xffff  }
0x120: {  	v32 =	vld.idx.msk [tilespmem:v32+s18+$0x0], $0xffff  }
0x121: {  	v57 =	vld [tilespmem:$0x2B0]  }
0x122: {  	v56 =	vld.idx.msk [tilespmem:v54+s14+$0x0], $0xffff;
	_ =	sdelay $0x2  }
0x123: {  	v32 =	vsub.f32 v32, v55;
	_ =	sdelay $0x1  }
0x124: {  	v32 =	vmul.f32 v32, v56;
	_ =	sdelay $0x1  }
0x125: {  	[tilespmem:$0x110A0] =	vst v32  }
0x126: {  	v32 =	vld.idx.msk [tilespmem:v57+s13+$0x0], $0xffff;
	_ =	sdelay $0x4  }
0x127: {  	v32 =	vadd.s32 v11, v32;
	_ =	sdelay $0x3  }
0x128: {  	v58 =	vld.idx.msk [tilespmem:v57+s15+$0x0], $0xffff  }
0x129: {  	v32 =	vld.idx.msk [tilespmem:v32+s18+$0x0], $0xffff  }
0x12a: {  	v60 =	vld [tilespmem:$0x2C0]  }
0x12b: {  	v59 =	vld.idx.msk [tilespmem:v57+s14+$0x0], $0xffff;
	_ =	sdelay $0x2  }
0x12c: {  	v32 =	vsub.f32 v32, v58;
	_ =	sdelay $0x1  }
0x12d: {  	v32 =	vmul.f32 v32, v59;
	_ =	sdelay $0x1  }
0x12e: {  	[tilespmem:$0x110B0] =	vst v32  }
0x12f: {  	v32 =	vld.idx.msk [tilespmem:v60+s13+$0x0], $0xffff;
	_ =	sdelay $0x4  }
0x130: {  	v32 =	vadd.s32 v12, v32;
	_ =	sdelay $0x3  }
0x131: {  	v61 =	vld.idx.msk [tilespmem:v60+s15+$0x0], $0xffff  }
0x132: {  	v32 =	vld.idx.msk [tilespmem:v32+s18+$0x0], $0xffff  }
0x133: {  	v63 =	vld [tilespmem:$0x2D0]  }
0x134: {  	v62 =	vld.idx.msk [tilespmem:v60+s14+$0x0], $0xffff;
	_ =	sdelay $0x2  }
0x135: {  	v32 =	vsub.f32 v32, v61;
	_ =	sdelay $0x1  }
0x136: {  	v32 =	vmul.f32 v32, v62;
	_ =	sdelay $0x1  }
0x137: {  	[tilespmem:$0x110C0] =	vst v32  }
0x138: {  	v32 =	vld.idx.msk [tilespmem:v63+s13+$0x0], $0xffff;
	_ =	sdelay $0x4  }
0x139: {  	v32 =	vadd.s32 v13, v32;
	_ =	sdelay $0x3  }
0x13a: {  	v36 =	vld.idx.msk [tilespmem:v63+s15+$0x0], $0xffff  }
0x13b: {  	v32 =	vld.idx.msk [tilespmem:v32+s18+$0x0], $0xffff  }
0x13c: {  	v38 =	vld [tilespmem:$0x2E0]  }
0x13d: {  	v37 =	vld.idx.msk [tilespmem:v63+s14+$0x0], $0xffff;
	_ =	sdelay $0x2  }
0x13e: {  	v32 =	vsub.f32 v32, v36;
	_ =	sdelay $0x1  }
0x13f: {  	v32 =	vmul.f32 v32, v37;
	_ =	sdelay $0x1  }
0x140: {  	[tilespmem:$0x110D0] =	vst v32  }
0x141: {  	v32 =	vld.idx.msk [tilespmem:v38+s13+$0x0], $0xffff;
	_ =	sdelay $0x4  }
0x142: {  	v32 =	vadd.s32 v14, v32;
	_ =	sdelay $0x3  }
0x143: {  	v39 =	vld.idx.msk [tilespmem:v38+s15+$0x0], $0xffff  }
0x144: {  	v32 =	vld.idx.msk [tilespmem:v32+s18+$0x0], $0xffff  }
0x145: {  	v41 =	vld [tilespmem:$0x2F0]  }
0x146: {  	v40 =	vld.idx.msk [tilespmem:v38+s14+$0x0], $0xffff;
	_ =	sdelay $0x2  }
0x147: {  	v32 =	vsub.f32 v32, v39;
	_ =	sdelay $0x1  }
0x148: {  	v32 =	vmul.f32 v32, v40;
	_ =	sdelay $0x1  }
0x149: {  	[tilespmem:$0x110E0] =	vst v32  }
0x14a: {  	v32 =	vld.idx.msk [tilespmem:v41+s13+$0x0], $0xffff;
	_ =	sdelay $0x4  }
0x14b: {  	v32 =	vadd.s32 v15, v32;
	_ =	sdelay $0x3  }
0x14c: {  	v42 =	vld.idx.msk [tilespmem:v41+s15+$0x0], $0xffff  }
0x14d: {  	v32 =	vld.idx.msk [tilespmem:v32+s18+$0x0], $0xffff  }
0x14e: {  	v44 =	vld [tilespmem:$0x300]  }
0x14f: {  	v43 =	vld.idx.msk [tilespmem:v41+s14+$0x0], $0xffff;
	_ =	sdelay $0x2  }
0x150: {  	v32 =	vsub.f32 v32, v42;
	_ =	sdelay $0x1  }
0x151: {  	v32 =	vmul.f32 v32, v43;
	_ =	sdelay $0x1  }
0x152: {  	[tilespmem:$0x110F0] =	vst v32  }
0x153: {  	v32 =	vld.idx.msk [tilespmem:v44+s13+$0x0], $0xffff;
	_ =	sdelay $0x4  }
0x154: {  	v32 =	vadd.s32 v16, v32;
	_ =	sdelay $0x3  }
0x155: {  	v45 =	vld.idx.msk [tilespmem:v44+s15+$0x0], $0xffff  }
0x156: {  	v32 =	vld.idx.msk [tilespmem:v32+s18+$0x0], $0xffff  }
0x157: {  	v47 =	vld [tilespmem:$0x310]  }
0x158: {  	v46 =	vld.idx.msk [tilespmem:v44+s14+$0x0], $0xffff;
	_ =	sdelay $0x2  }
0x159: {  	v32 =	vsub.f32 v32, v45;
	_ =	sdelay $0x1  }
0x15a: {  	v32 =	vmul.f32 v32, v46;
	_ =	sdelay $0x1  }
0x15b: {  	[tilespmem:$0x11100] =	vst v32  }
0x15c: {  	v32 =	vld.idx.msk [tilespmem:v47+s13+$0x0], $0xffff;
	_ =	sdelay $0x4  }
0x15d: {  	v32 =	vadd.s32 v17, v32;
	_ =	sdelay $0x3  }
0x15e: {  	v48 =	vld.idx.msk [tilespmem:v47+s15+$0x0], $0xffff  }
0x15f: {  	v32 =	vld.idx.msk [tilespmem:v32+s18+$0x0], $0xffff  }
0x160: {  	v50 =	vld [tilespmem:$0x320]  }
0x161: {  	v49 =	vld.idx.msk [tilespmem:v47+s14+$0x0], $0xffff;
	_ =	sdelay $0x2  }
0x162: {  	v32 =	vsub.f32 v32, v48;
	_ =	sdelay $0x1  }
0x163: {  	v32 =	vmul.f32 v32, v49;
	_ =	sdelay $0x1  }
0x164: {  	[tilespmem:$0x11110] =	vst v32  }
0x165: {  	v32 =	vld.idx.msk [tilespmem:v50+s13+$0x0], $0xffff;
	_ =	sdelay $0x4  }
0x166: {  	v32 =	vadd.s32 v18, v32;
	_ =	sdelay $0x3  }
0x167: {  	v51 =	vld.idx.msk [tilespmem:v50+s15+$0x0], $0xffff  }
0x168: {  	v32 =	vld.idx.msk [tilespmem:v32+s18+$0x0], $0xffff  }
0x169: {  	v53 =	vld [tilespmem:$0x330]  }
0x16a: {  	v52 =	vld.idx.msk [tilespmem:v50+s14+$0x0], $0xffff;
	_ =	sdelay $0x2  }
0x16b: {  	v32 =	vsub.f32 v32, v51;
	_ =	sdelay $0x1  }
0x16c: {  	v32 =	vmul.f32 v32, v52;
	_ =	sdelay $0x1  }
0x16d: {  	[tilespmem:$0x11120] =	vst v32  }
0x16e: {  	v32 =	vld.idx.msk [tilespmem:v53+s13+$0x0], $0xffff;
	_ =	sdelay $0x4  }
0x16f: {  	v32 =	vadd.s32 v19, v32;
	_ =	sdelay $0x3  }
0x170: {  	v54 =	vld.idx.msk [tilespmem:v53+s15+$0x0], $0xffff  }
0x171: {  	v32 =	vld.idx.msk [tilespmem:v32+s18+$0x0], $0xffff  }
0x172: {  	v56 =	vld [tilespmem:$0x340]  }
0x173: {  	v55 =	vld.idx.msk [tilespmem:v53+s14+$0x0], $0xffff;
	_ =	sdelay $0x2  }
0x174: {  	v32 =	vsub.f32 v32, v54;
	_ =	sdelay $0x1  }
0x175: {  	v32 =	vmul.f32 v32, v55;
	_ =	sdelay $0x1  }
0x176: {  	[tilespmem:$0x11130] =	vst v32  }
0x177: {  	v32 =	vld.idx.msk [tilespmem:v56+s13+$0x0], $0xffff;
	_ =	sdelay $0x4  }
0x178: {  	v32 =	vadd.s32 v20, v32;
	_ =	sdelay $0x3  }
0x179: {  	v57 =	vld.idx.msk [tilespmem:v56+s15+$0x0], $0xffff  }
0x17a: {  	v32 =	vld.idx.msk [tilespmem:v32+s18+$0x0], $0xffff  }
0x17b: {  	v59 =	vld [tilespmem:$0x350]  }
0x17c: {  	v58 =	vld.idx.msk [tilespmem:v56+s14+$0x0], $0xffff;
	_ =	sdelay $0x2  }
0x17d: {  	v32 =	vsub.f32 v32, v57;
	_ =	sdelay $0x1  }
0x17e: {  	v32 =	vmul.f32 v32, v58;
	_ =	sdelay $0x1  }
0x17f: {  	[tilespmem:$0x11140] =	vst v32  }
0x180: {  	v32 =	vld.idx.msk [tilespmem:v59+s13+$0x0], $0xffff;
	_ =	sdelay $0x4  }
0x181: {  	v32 =	vadd.s32 v21, v32;
	_ =	sdelay $0x3  }
0x182: {  	v60 =	vld.idx.msk [tilespmem:v59+s15+$0x0], $0xffff  }
0x183: {  	v32 =	vld.idx.msk [tilespmem:v32+s18+$0x0], $0xffff  }
0x184: {  	v62 =	vld [tilespmem:$0x360]  }
0x185: {  	v61 =	vld.idx.msk [tilespmem:v59+s14+$0x0], $0xffff;
	_ =	sdelay $0x2  }
0x186: {  	v32 =	vsub.f32 v32, v60;
	_ =	sdelay $0x1  }
0x187: {  	v32 =	vmul.f32 v32, v61;
	_ =	sdelay $0x1  }
0x188: {  	[tilespmem:$0x11150] =	vst v32  }
0x189: {  	v32 =	vld.idx.msk [tilespmem:v62+s13+$0x0], $0xffff;
	_ =	sdelay $0x4  }
0x18a: {  	v32 =	vadd.s32 v22, v32;
	_ =	sdelay $0x3  }
0x18b: {  	v63 =	vld.idx.msk [tilespmem:v62+s15+$0x0], $0xffff  }
0x18c: {  	v32 =	vld.idx.msk [tilespmem:v32+s18+$0x0], $0xffff  }
0x18d: {  	v37 =	vld [tilespmem:$0x370]  }
0x18e: {  	v36 =	vld.idx.msk [tilespmem:v62+s14+$0x0], $0xffff;
	_ =	sdelay $0x2  }
0x18f: {  	v32 =	vsub.f32 v32, v63;
	_ =	sdelay $0x1  }
0x190: {  	v32 =	vmul.f32 v32, v36;
	_ =	sdelay $0x1  }
0x191: {  	[tilespmem:$0x11160] =	vst v32  }
0x192: {  	v32 =	vld.idx.msk [tilespmem:v37+s13+$0x0], $0xffff;
	_ =	sdelay $0x4  }
0x193: {  	v32 =	vadd.s32 v23, v32;
	_ =	sdelay $0x3  }
0x194: {  	v38 =	vld.idx.msk [tilespmem:v37+s15+$0x0], $0xffff  }
0x195: {  	v32 =	vld.idx.msk [tilespmem:v32+s18+$0x0], $0xffff  }
0x196: {  	v40 =	vld [tilespmem:$0x380]  }
0x197: {  	v39 =	vld.idx.msk [tilespmem:v37+s14+$0x0], $0xffff;
	_ =	sdelay $0x2  }
0x198: {  	v32 =	vsub.f32 v32, v38;
	_ =	sdelay $0x1  }
0x199: {  	v32 =	vmul.f32 v32, v39;
	_ =	sdelay $0x1  }
0x19a: {  	[tilespmem:$0x11170] =	vst v32  }
0x19b: {  	v32 =	vld.idx.msk [tilespmem:v40+s13+$0x0], $0xffff;
	_ =	sdelay $0x4  }
0x19c: {  	v32 =	vadd.s32 v24, v32;
	_ =	sdelay $0x3  }
0x19d: {  	v41 =	vld.idx.msk [tilespmem:v40+s15+$0x0], $0xffff  }
0x19e: {  	v32 =	vld.idx.msk [tilespmem:v32+s18+$0x0], $0xffff  }
0x19f: {  	v43 =	vld [tilespmem:$0x390]  }
0x1a0: {  	v42 =	vld.idx.msk [tilespmem:v40+s14+$0x0], $0xffff;
	_ =	sdelay $0x2  }
0x1a1: {  	v32 =	vsub.f32 v32, v41;
	_ =	sdelay $0x1  }
0x1a2: {  	v32 =	vmul.f32 v32, v42;
	_ =	sdelay $0x1  }
0x1a3: {  	[tilespmem:$0x11180] =	vst v32  }
0x1a4: {  	v32 =	vld.idx.msk [tilespmem:v43+s13+$0x0], $0xffff;
	_ =	sdelay $0x4  }
0x1a5: {  	v32 =	vadd.s32 v25, v32;
	_ =	sdelay $0x3  }
0x1a6: {  	v44 =	vld.idx.msk [tilespmem:v43+s15+$0x0], $0xffff  }
0x1a7: {  	v32 =	vld.idx.msk [tilespmem:v32+s18+$0x0], $0xffff  }
0x1a8: {  	v46 =	vld [tilespmem:$0x3A0]  }
0x1a9: {  	v45 =	vld.idx.msk [tilespmem:v43+s14+$0x0], $0xffff;
	_ =	sdelay $0x2  }
0x1aa: {  	v32 =	vsub.f32 v32, v44;
	_ =	sdelay $0x1  }
0x1ab: {  	v32 =	vmul.f32 v32, v45;
	_ =	sdelay $0x1  }
0x1ac: {  	[tilespmem:$0x11190] =	vst v32  }
0x1ad: {  	v32 =	vld.idx.msk [tilespmem:v46+s13+$0x0], $0xffff;
	_ =	sdelay $0x4  }
0x1ae: {  	v32 =	vadd.s32 v26, v32;
	_ =	sdelay $0x3  }
0x1af: {  	v47 =	vld.idx.msk [tilespmem:v46+s15+$0x0], $0xffff  }
0x1b0: {  	v32 =	vld.idx.msk [tilespmem:v32+s18+$0x0], $0xffff  }
0x1b1: {  	v49 =	vld [tilespmem:$0x3B0]  }
0x1b2: {  	v48 =	vld.idx.msk [tilespmem:v46+s14+$0x0], $0xffff;
	_ =	sdelay $0x2  }
0x1b3: {  	v32 =	vsub.f32 v32, v47;
	_ =	sdelay $0x1  }
0x1b4: {  	v32 =	vmul.f32 v32, v48;
	_ =	sdelay $0x1  }
0x1b5: {  	[tilespmem:$0x111A0] =	vst v32  }
0x1b6: {  	v32 =	vld.idx.msk [tilespmem:v49+s13+$0x0], $0xffff;
	_ =	sdelay $0x4  }
0x1b7: {  	v32 =	vadd.s32 v27, v32;
	_ =	sdelay $0x3  }
0x1b8: {  	v50 =	vld.idx.msk [tilespmem:v49+s15+$0x0], $0xffff  }
0x1b9: {  	v32 =	vld.idx.msk [tilespmem:v32+s18+$0x0], $0xffff  }
0x1ba: {  	v52 =	vld [tilespmem:$0x3C0]  }
0x1bb: {  	v51 =	vld.idx.msk [tilespmem:v49+s14+$0x0], $0xffff;
	_ =	sdelay $0x2  }
0x1bc: {  	v32 =	vsub.f32 v32, v50;
	_ =	sdelay $0x1  }
0x1bd: {  	v32 =	vmul.f32 v32, v51;
	_ =	sdelay $0x1  }
0x1be: {  	[tilespmem:$0x111B0] =	vst v32  }
0x1bf: {  	v32 =	vld.idx.msk [tilespmem:v52+s13+$0x0], $0xffff;
	_ =	sdelay $0x4  }
0x1c0: {  	v32 =	vadd.s32 v28, v32;
	_ =	sdelay $0x3  }
0x1c1: {  	v53 =	vld.idx.msk [tilespmem:v52+s15+$0x0], $0xffff  }
0x1c2: {  	v32 =	vld.idx.msk [tilespmem:v32+s18+$0x0], $0xffff  }
0x1c3: {  	v55 =	vld [tilespmem:$0x3D0]  }
0x1c4: {  	v54 =	vld.idx.msk [tilespmem:v52+s14+$0x0], $0xffff;
	_ =	sdelay $0x2  }
0x1c5: {  	v32 =	vsub.f32 v32, v53;
	_ =	sdelay $0x1  }
0x1c6: {  	v32 =	vmul.f32 v32, v54;
	_ =	sdelay $0x1  }
0x1c7: {  	[tilespmem:$0x111C0] =	vst v32  }
0x1c8: {  	v32 =	vld.idx.msk [tilespmem:v55+s13+$0x0], $0xffff;
	_ =	sdelay $0x4  }
0x1c9: {  	v32 =	vadd.s32 v29, v32;
	_ =	sdelay $0x3  }
0x1ca: {  	v56 =	vld.idx.msk [tilespmem:v55+s15+$0x0], $0xffff  }
0x1cb: {  	v32 =	vld.idx.msk [tilespmem:v32+s18+$0x0], $0xffff  }
0x1cc: {  	v58 =	vld [tilespmem:$0x3E0]  }
0x1cd: {  	v57 =	vld.idx.msk [tilespmem:v55+s14+$0x0], $0xffff;
	_ =	sdelay $0x2  }
0x1ce: {  	v32 =	vsub.f32 v32, v56;
	_ =	sdelay $0x1  }
0x1cf: {  	v32 =	vmul.f32 v32, v57;
	_ =	sdelay $0x1  }
0x1d0: {  	[tilespmem:$0x111D0] =	vst v32  }
0x1d1: {  	v32 =	vld.idx.msk [tilespmem:v58+s13+$0x0], $0xffff;
	_ =	sdelay $0x4  }
0x1d2: {  	v32 =	vadd.s32 v30, v32;
	_ =	sdelay $0x3  }
0x1d3: {  	v59 =	vld.idx.msk [tilespmem:v58+s15+$0x0], $0xffff  }
0x1d4: {  	v32 =	vld.idx.msk [tilespmem:v32+s18+$0x0], $0xffff  }
0x1d5: {  	v61 =	vld [tilespmem:$0x3F0]  }
0x1d6: {  	v60 =	vld.idx.msk [tilespmem:v58+s14+$0x0], $0xffff;
	_ =	sdelay $0x2  }
0x1d7: {  	v32 =	vsub.f32 v32, v59;
	_ =	sdelay $0x1  }
0x1d8: {  	v32 =	vmul.f32 v32, v60;
	_ =	sdelay $0x1  }
0x1d9: {  	[tilespmem:$0x111E0] =	vst v32  }
0x1da: {  	v32 =	vld.idx.msk [tilespmem:v61+s13+$0x0], $0xffff;
	_ =	sdelay $0x4  }
0x1db: {  	v32 =	vadd.s32 v31, v32;
	_ =	sdelay $0x3  }
0x1dc: {  	v62 =	vld.idx.msk [tilespmem:v61+s15+$0x0], $0xffff  }
0x1dd: {  	v32 =	vld.idx.msk [tilespmem:v32+s18+$0x0], $0xffff;
	_ =	sdelay $0x1  }
0x1de: {  	v63 =	vld.idx.msk [tilespmem:v61+s14+$0x0], $0xffff;
	_ =	sdelay $0x2  }
0x1df: {  	v32 =	vsub.f32 v32, v62;
	_ =	sdelay $0x1  }
0x1e0: {  	s20 =	sadd.s32 $0x1, s20;
	v32 =	vmul.f32 v32, v63  }
0x1e1: {  	p0 =	sne.s32 s20, s10  }
.Ltmp2:
0x1e2: {  	[tilespmem:$0x111F0] =	vst v32;
	(pc) =	sbr.rel @p0 .LBB2_1-.Ltmp2, $4  }
0x1e3: {  	[hbm4b:s9+s1] =	stream.linear.scatter [tilespmem:s19], [sflag:$0x2], $0x200, $0x38;
	[tilespmem:$0x11200] =	vst v63  }
0x1e4: {  	_ =	swait.ge [sflag:s11], $0x200  }
0x1e5: {  	[sflag:s11] =	ssyncset.done $0x0  }
0x1e6: {  	[sflag:s11] =	ssyncadd.s32 $0xFFFFFE00  }
0x1e7: {  	_ =	sfence.sel $0x180000  }
0x1e8: {  	[bflag:$0x0] =	sbarrier.arrive $0xFFFF  }
0x1e9: {  	_ =	strace $0x90000047  }
0x1ea: {  	s0 =	stileid.u32;
	[bflag:$0x2] =	sbarrier.arrive $0xFFFF  }
0x1eb: {  	p0 =	sne.s32 s0, $0x0;
	s0 =	rddreg [dreg:$0x4]  }
0x1ec: {  	s0 =	sadd.s32 @!p0 $0x100000, s0  }
0x1ed: {  	[sflag:s0] =	ssyncadd.tile.s32 @!p0 $0x1;
	_ =	shalt  }
.Lfunc_end2:
_tile_overlayer_lowered:
.L_overlay_start_2:
0x1ee: {  	(tag) =	ssettag $0x2  }
0x1ef: {  	s0 =	rddreg [dreg:$0x0];
	s2 =	stileid.u32  }
0x1f0: {  	s1 =	rddreg [dreg:$0x1];
	p0 =	sne.s32 s2, $0x0  }
0x1f1: {  	s3 =	rddreg [dreg:$0x2];
	[bflag:$0x3] =	sbarrier.arrive $0xFFFF;
	s2 =	simm.s32 @!p0 $0x1C02  }
0x1f2: {  	[timem:s3], [sflag:s2] =	dma.local @!p0 [hbm:s0], s1  }
0x1f3: {  	s0 =	simm.s32 @!p0 $0x2  }
0x1f4: {  	_ =	swait.ge @!p0 [sflag:s0], s1  }
0x1f5: {  	s1 =	ssub.s32 @!p0 $0x0, s1;
	[sflag:s0] =	ssyncset.done @!p0 $0x0  }
0x1f6: {  	[sflag:s0] =	ssyncadd.s32 @!p0 s1  }
0x1f7: {  	[bflag:$0x3] =	sbarrier.arrive $0xFFFF  }
0x1f8: {  	_ =	shalt  }

</sc_bundles>
